<compile_context>
chip_gen: v7x
topology: tpu7x:2x2x1
jax: 0.10.2.dev20260603
libtpu: 0.0.44.dev20260713+nightly
codegen_flags: <defaults>
</compile_context>

<pallas_src>
import functools

import jax
import jax.numpy as jnp
from jax import lax
from jax.experimental import pallas as pl
from jax.experimental.pallas import tpu as pltpu
from jax.experimental.pallas import tpu_sc as plsc

N = 16384
EMB = 33
D_HALF = 32
V = 100000

NUM_CORES = 2
NUM_SUBCORES = 16
NW = NUM_CORES * NUM_SUBCORES
L = 16
CHUNK = 2048
N_CHUNKS = N // CHUNK


_sc_mesh = plsc.VectorSubcoreMesh(core_axis_name="c", subcore_axis_name="s")


@functools.partial(
    pl.kernel,
    mesh=_sc_mesh,
    out_type=jax.ShapeDtypeStruct((D_HALF, N), jnp.float32),
    compiler_params=pltpu.CompilerParams(needs_layout_passes=False),
    scratch_types=[
        pltpu.VMEM((1, V), jnp.float32),
        pltpu.VMEM((N,), jnp.int32),
        pltpu.VMEM((2, CHUNK), jnp.float32),
        pltpu.SemaphoreType.DMA,
        pltpu.SemaphoreType.DMA,
    ],
)
def _gather_sc(tableT_hbm, idx_hbm, embT_hbm, row_v, idx_v, out_v, sem, osem):
    wid = lax.axis_index("s") * NUM_CORES + lax.axis_index("c")
    row_cp = pltpu.async_copy(tableT_hbm.at[pl.ds(wid, 1), :], row_v, sem)
    idx_cp = pltpu.async_copy(idx_hbm, idx_v, sem)
    row_cp.wait()
    idx_cp.wait()
    zeros = lax.iota(jnp.int32, L) * 0
    UNROLL = 8

    out_cps = [None, None]
    for c in range(N_CHUNKS):
        buf = c % 2

        def group_body(gg, _, c=c, buf=buf):
            base = gg * (L * UNROLL)
            for u in range(UNROLL):
                off = base + u * L
                iv = idx_v[pl.ds(c * CHUNK + off, L)]
                out_v[buf, pl.ds(off, L)] = plsc.load_gather(
                    row_v, [zeros, iv]
                )
            return 0

        if out_cps[buf] is not None:
            out_cps[buf].wait()
        lax.fori_loop(0, CHUNK // (L * UNROLL), group_body, 0)
        out_cps[buf] = pltpu.async_copy(
            out_v.at[pl.ds(buf, 1)],
            embT_hbm.at[pl.ds(wid, 1), pl.ds(c * CHUNK, CHUNK)],
            osem,
        )
    for cp in out_cps:
        cp.wait()


def _fuse_body(tokT_ref, embT_ref, w_ref, b_ref, out_ref):
    x = tokT_ref[1:EMB, :]
    y = jnp.dot(w_ref[:], x, preferred_element_type=jnp.float32)
    proj = jnp.maximum(y + b_ref[:], 0.0)
    out_ref[:] = jnp.concatenate([embT_ref[:], proj], axis=0)


_BLK = 2048


def _fuse_tc(tokenT, embT, W, b):
    b2 = b.reshape(D_HALF, 1)
    return pl.pallas_call(
        _fuse_body,
        grid=(N // _BLK,),
        in_specs=[
            pl.BlockSpec((EMB, _BLK), lambda i: (0, i)),
            pl.BlockSpec((D_HALF, _BLK), lambda i: (0, i)),
            pl.BlockSpec((D_HALF, EMB - 1), lambda i: (0, 0)),
            pl.BlockSpec((D_HALF, 1), lambda i: (0, 0)),
        ],
        out_specs=pl.BlockSpec((2 * D_HALF, _BLK), lambda i: (0, i)),
        out_shape=jax.ShapeDtypeStruct((2 * D_HALF, N), jnp.float32),
    )(tokenT, embT, W, b2)


def kernel(token, table, W, b):
    tokenT = token.T
    tableT = table.T
    idx = tokenT[0, :].astype(jnp.int32)
    embT = _gather_sc(tableT, idx)
    outT = _fuse_tc(tokenT, embT, W, b)
    return outT.T

# --- scband reference (transcript-rebuilt; emitter-appended) ---
"""Pipeline reference for scband-embedding-layer-26345329394231 (READ-ONLY COPY).

The authoritative reference and input builder live on the scoring server;
editing this copy changes nothing except your own understanding.
"""

import jax, jax.numpy as jnp
import numpy as np

N = 16384
EMB = 33
D_MODEL = 64
V = 100000

def setup_inputs(seed: int = 0) -> dict:
    key = jax.random.key(seed)
    k1, k2, k3, k4 = jax.random.split(key, 4)
    # token[:, 0] holds the token-type id (stored as float), rest are continuous features
    token_type = jax.random.randint(k1, (N, 1), 0, V).astype(jnp.float32)
    feats = jax.random.normal(k2, (N, EMB - 1), dtype=jnp.float32)
    token = jnp.concatenate([token_type, feats], axis=1)
    # learned params
    table = jax.random.normal(k3, (V, D_MODEL // 2), dtype=jnp.float32) * 0.02
    W = jax.random.uniform(k4, (D_MODEL // 2, EMB - 1), minval=-0.1, maxval=0.1, dtype=jnp.float32)
    b = jnp.zeros((D_MODEL // 2,), dtype=jnp.float32)
    return {"token": token, "table": table, "W": W, "b": b}

def reference(token, table, W, b):
    # token_type = token[:, token_type_loc].long(); token_type_loc = 0
    token_type = token[:, 0].astype(jnp.int32)
    # embedding lookup -> gather
    token_type_embedding = jnp.take(table, token_type, axis=0)
    # Linear(embedding_size - 1 -> d_model // 2) + ReLU on token[:, 1:]
    hvo_projection = token[:, 1:] @ W.T + b
    hvo_projection = jax.nn.relu(hvo_projection)
    out = jnp.concatenate([token_type_embedding, hvo_projection], axis=1)
    return out

if __name__ == "__main__":
    import jax
    _d = setup_inputs()
    print(jax.jit(kernel)(*tuple(_d.values())))

</pallas_src>

<mosaic_0001>
#map = affine_map<(d0, d1) -> (0, 0)>
#map1 = affine_map<(d0, d1) -> (0)>
module attributes {stable_mosaic.version = 14 : i64} {
  func.func @_gather_sc(%arg0: i32, %arg1: i32, %arg2: memref<32x100000xf32, #tpu.memory_space<hbm>>, %arg3: memref<16384xi32, #tpu.memory_space<hbm>>, %arg4: memref<32x16384xf32, #tpu.memory_space<hbm>>, %arg5: memref<1x100000xf32, #tpu.memory_space<vmem>>, %arg6: memref<16384xi32, #tpu.memory_space<vmem>>, %arg7: memref<2x2048xf32, #tpu.memory_space<vmem>>, %arg8: memref<!tpu.dma_semaphore, #tpu.memory_space<semaphore_mem>>, %arg9: memref<!tpu.dma_semaphore, #tpu.memory_space<semaphore_mem>>) attributes {dimension_semantics = [#tpu.dimension_semantics<core_parallel>, #tpu.dimension_semantics<subcore_parallel>], iteration_bounds = array<i64: 2, 16>, scalar_prefetch = 0 : i64, scratch_operands = 5 : i64, tpu.core_type = #tpu.core_type<sc_vector_subcore>, window_params = [{transform_indices = #map}, {transform_indices = #map1}, {transform_indices = #map}]} {
    %mul3A = arith.constant 2 : i32
    %mul3A_0 = arith.muli %arg1, %mul3A : i32
    %add3A = arith.addi %mul3A_0, %arg0 : i32
    %dma_start3A = arith.constant 0 : i32
    %dma_start3A_1 = tpu.memref_slice %arg2[%add3A, %dma_start3A] : memref<32x100000xf32, #tpu.memory_space<hbm>> -> memref<1x100000xf32, #tpu.memory_space<hbm>>
    %dma_start3A_2 = arith.constant 0 : i32
    %dma_start3A_3 = tpu.memref_slice %arg2[%add3A, %dma_start3A_2] : memref<32x100000xf32, #tpu.memory_space<hbm>> -> memref<1x100000xf32, #tpu.memory_space<hbm>>
    tpu.enqueue_dma source(%dma_start3A_3 : memref<1x100000xf32, #tpu.memory_space<hbm>>) target(%arg5 : memref<1x100000xf32, #tpu.memory_space<vmem>>) target_semaphore(%arg8 : memref<!tpu.dma_semaphore, #tpu.memory_space<semaphore_mem>>)
    tpu.enqueue_dma source(%arg3 : memref<16384xi32, #tpu.memory_space<hbm>>) target(%arg6 : memref<16384xi32, #tpu.memory_space<vmem>>) target_semaphore(%arg8 : memref<!tpu.dma_semaphore, #tpu.memory_space<semaphore_mem>>)
    %dma_wait3A = arith.constant 0 : i32
    %dma_wait3A_4 = tpu.memref_slice %arg2[%add3A, %dma_wait3A] : memref<32x100000xf32, #tpu.memory_space<hbm>> -> memref<1x100000xf32, #tpu.memory_space<hbm>>
    %dma_wait3A_5 = arith.constant 0 : i32
    %dma_wait3A_6 = tpu.memref_slice %arg2[%add3A, %dma_wait3A_5] : memref<32x100000xf32, #tpu.memory_space<hbm>> -> memref<1x100000xf32, #tpu.memory_space<hbm>>
    tpu.wait_dma2 semaphore(%arg8 : memref<!tpu.dma_semaphore, #tpu.memory_space<semaphore_mem>>) src(%dma_wait3A_6 : memref<1x100000xf32, #tpu.memory_space<hbm>>) dst(%arg5 : memref<1x100000xf32, #tpu.memory_space<vmem>>)
    tpu.wait_dma2 semaphore(%arg8 : memref<!tpu.dma_semaphore, #tpu.memory_space<semaphore_mem>>) src(%arg3 : memref<16384xi32, #tpu.memory_space<hbm>>) dst(%arg6 : memref<16384xi32, #tpu.memory_space<vmem>>)
    %iota3A = tpu.iota {dimensions = array<i32: 0>} : vector<16xi32>
    %mul3A_7 = arith.constant 0 : i32
    %mul3A_8 = vector.broadcast %mul3A_7 : i32 to vector<16xi32>
    %mul3A_9 = arith.muli %iota3A, %mul3A_8 : vector<16xi32>
    %scan3A = arith.constant 0 : i32
    %scan3A_10 = arith.constant 0 : i32
    %scan3A_11 = arith.constant 16 : i32
    %scan3A_12 = arith.addi %scan3A_10, %scan3A_11 : i32
    %scan3A_13 = arith.constant 1 : i32
    %scan3A_14 = scf.for %scan3A_225 = %scan3A_10 to %scan3A_12 step %scan3A_13 iter_args(%scan3A_226 = %scan3A) -> (i32)  : i32 {
      %mul3A_227 = arith.constant 128 : i32
      %mul3A_228 = arith.muli %scan3A_225, %mul3A_227 : i32
      %add3A_229 = arith.constant 0 : i32
      %add3A_230 = arith.addi %mul3A_228, %add3A_229 : i32
      %add3A_231 = arith.constant 0 : i32
      %add3A_232 = arith.addi %add3A_231, %add3A_230 : i32
      %get3A = arith.index_cast %add3A_232 : i32 to index
      %get3A_233 = tpu.vector_load %arg6[%get3A] {strides = array<i32>} : memref<16384xi32, #tpu.memory_space<vmem>>, vector<16xi32>,
      %gather3A = tpu.vector_load_idx %arg5[%mul3A_9, %get3A_233] : memref<1x100000xf32, #tpu.memory_space<vmem>>[vector<16xi32>, vector<16xi32>], vector<16xf32>,
      %swap3A = arith.constant 0 : i32
      %swap3A_234 = arith.index_cast %swap3A : i32 to index
      %swap3A_235 = arith.index_cast %add3A_230 : i32 to index
      %swap3A_236 = tpu.vector_load %arg7[%swap3A_234, %swap3A_235] {strides = array<i32>} : memref<2x2048xf32, #tpu.memory_space<vmem>>, vector<16xf32>,
      tpu.vector_store %arg7[%swap3A_234, %swap3A_235], %gather3A {strides = array<i32>} : memref<2x2048xf32, #tpu.memory_space<vmem>>, vector<16xf32>,
      %add3A_237 = arith.constant 16 : i32
      %add3A_238 = arith.addi %mul3A_228, %add3A_237 : i32
      %add3A_239 = arith.constant 0 : i32
      %add3A_240 = arith.addi %add3A_239, %add3A_238 : i32
      %get3A_241 = arith.index_cast %add3A_240 : i32 to index
      %get3A_242 = tpu.vector_load %arg6[%get3A_241] {strides = array<i32>} : memref<16384xi32, #tpu.memory_space<vmem>>, vector<16xi32>,
      %gather3A_243 = tpu.vector_load_idx %arg5[%mul3A_9, %get3A_242] : memref<1x100000xf32, #tpu.memory_space<vmem>>[vector<16xi32>, vector<16xi32>], vector<16xf32>,
      %swap3A_244 = arith.constant 0 : i32
      %swap3A_245 = arith.index_cast %swap3A_244 : i32 to index
      %swap3A_246 = arith.index_cast %add3A_238 : i32 to index
      %swap3A_247 = tpu.vector_load %arg7[%swap3A_245, %swap3A_246] {strides = array<i32>} : memref<2x2048xf32, #tpu.memory_space<vmem>>, vector<16xf32>,
      tpu.vector_store %arg7[%swap3A_245, %swap3A_246], %gather3A_243 {strides = array<i32>} : memref<2x2048xf32, #tpu.memory_space<vmem>>, vector<16xf32>,
      %add3A_248 = arith.constant 32 : i32
      %add3A_249 = arith.addi %mul3A_228, %add3A_248 : i32
      %add3A_250 = arith.constant 0 : i32
      %add3A_251 = arith.addi %add3A_250, %add3A_249 : i32
      %get3A_252 = arith.index_cast %add3A_251 : i32 to index
      %get3A_253 = tpu.vector_load %arg6[%get3A_252] {strides = array<i32>} : memref<16384xi32, #tpu.memory_space<vmem>>, vector<16xi32>,
      %gather3A_254 = tpu.vector_load_idx %arg5[%mul3A_9, %get3A_253] : memref<1x100000xf32, #tpu.memory_space<vmem>>[vector<16xi32>, vector<16xi32>], vector<16xf32>,
      %swap3A_255 = arith.constant 0 : i32
      %swap3A_256 = arith.index_cast %swap3A_255 : i32 to index
      %swap3A_257 = arith.index_cast %add3A_249 : i32 to index
      %swap3A_258 = tpu.vector_load %arg7[%swap3A_256, %swap3A_257] {strides = array<i32>} : memref<2x2048xf32, #tpu.memory_space<vmem>>, vector<16xf32>,
      tpu.vector_store %arg7[%swap3A_256, %swap3A_257], %gather3A_254 {strides = array<i32>} : memref<2x2048xf32, #tpu.memory_space<vmem>>, vector<16xf32>,
      %add3A_259 = arith.constant 48 : i32
      %add3A_260 = arith.addi %mul3A_228, %add3A_259 : i32
      %add3A_261 = arith.constant 0 : i32
      %add3A_262 = arith.addi %add3A_261, %add3A_260 : i32
      %get3A_263 = arith.index_cast %add3A_262 : i32 to index
      %get3A_264 = tpu.vector_load %arg6[%get3A_263] {strides = array<i32>} : memref<16384xi32, #tpu.memory_space<vmem>>, vector<16xi32>,
      %gather3A_265 = tpu.vector_load_idx %arg5[%mul3A_9, %get3A_264] : memref<1x100000xf32, #tpu.memory_space<vmem>>[vector<16xi32>, vector<16xi32>], vector<16xf32>,
      %swap3A_266 = arith.constant 0 : i32
      %swap3A_267 = arith.index_cast %swap3A_266 : i32 to index
      %swap3A_268 = arith.index_cast %add3A_260 : i32 to index
      %swap3A_269 = tpu.vector_load %arg7[%swap3A_267, %swap3A_268] {strides = array<i32>} : memref<2x2048xf32, #tpu.memory_space<vmem>>, vector<16xf32>,
      tpu.vector_store %arg7[%swap3A_267, %swap3A_268], %gather3A_265 {strides = array<i32>} : memref<2x2048xf32, #tpu.memory_space<vmem>>, vector<16xf32>,
      %add3A_270 = arith.constant 64 : i32
      %add3A_271 = arith.addi %mul3A_228, %add3A_270 : i32
      %add3A_272 = arith.constant 0 : i32
      %add3A_273 = arith.addi %add3A_272, %add3A_271 : i32
      %get3A_274 = arith.index_cast %add3A_273 : i32 to index
      %get3A_275 = tpu.vector_load %arg6[%get3A_274] {strides = array<i32>} : memref<16384xi32, #tpu.memory_space<vmem>>, vector<16xi32>,
      %gather3A_276 = tpu.vector_load_idx %arg5[%mul3A_9, %get3A_275] : memref<1x100000xf32, #tpu.memory_space<vmem>>[vector<16xi32>, vector<16xi32>], vector<16xf32>,
      %swap3A_277 = arith.constant 0 : i32
      %swap3A_278 = arith.index_cast %swap3A_277 : i32 to index
      %swap3A_279 = arith.index_cast %add3A_271 : i32 to index
      %swap3A_280 = tpu.vector_load %arg7[%swap3A_278, %swap3A_279] {strides = array<i32>} : memref<2x2048xf32, #tpu.memory_space<vmem>>, vector<16xf32>,
      tpu.vector_store %arg7[%swap3A_278, %swap3A_279], %gather3A_276 {strides = array<i32>} : memref<2x2048xf32, #tpu.memory_space<vmem>>, vector<16xf32>,
      %add3A_281 = arith.constant 80 : i32
      %add3A_282 = arith.addi %mul3A_228, %add3A_281 : i32
      %add3A_283 = arith.constant 0 : i32
      %add3A_284 = arith.addi %add3A_283, %add3A_282 : i32
      %get3A_285 = arith.index_cast %add3A_284 : i32 to index
      %get3A_286 = tpu.vector_load %arg6[%get3A_285] {strides = array<i32>} : memref<16384xi32, #tpu.memory_space<vmem>>, vector<16xi32>,
      %gather3A_287 = tpu.vector_load_idx %arg5[%mul3A_9, %get3A_286] : memref<1x100000xf32, #tpu.memory_space<vmem>>[vector<16xi32>, vector<16xi32>], vector<16xf32>,
      %swap3A_288 = arith.constant 0 : i32
      %swap3A_289 = arith.index_cast %swap3A_288 : i32 to index
      %swap3A_290 = arith.index_cast %add3A_282 : i32 to index
      %swap3A_291 = tpu.vector_load %arg7[%swap3A_289, %swap3A_290] {strides = array<i32>} : memref<2x2048xf32, #tpu.memory_space<vmem>>, vector<16xf32>,
      tpu.vector_store %arg7[%swap3A_289, %swap3A_290], %gather3A_287 {strides = array<i32>} : memref<2x2048xf32, #tpu.memory_space<vmem>>, vector<16xf32>,
      %add3A_292 = arith.constant 96 : i32
      %add3A_293 = arith.addi %mul3A_228, %add3A_292 : i32
      %add3A_294 = arith.constant 0 : i32
      %add3A_295 = arith.addi %add3A_294, %add3A_293 : i32
      %get3A_296 = arith.index_cast %add3A_295 : i32 to index
      %get3A_297 = tpu.vector_load %arg6[%get3A_296] {strides = array<i32>} : memref<16384xi32, #tpu.memory_space<vmem>>, vector<16xi32>,
      %gather3A_298 = tpu.vector_load_idx %arg5[%mul3A_9, %get3A_297] : memref<1x100000xf32, #tpu.memory_space<vmem>>[vector<16xi32>, vector<16xi32>], vector<16xf32>,
      %swap3A_299 = arith.constant 0 : i32
      %swap3A_300 = arith.index_cast %swap3A_299 : i32 to index
      %swap3A_301 = arith.index_cast %add3A_293 : i32 to index
      %swap3A_302 = tpu.vector_load %arg7[%swap3A_300, %swap3A_301] {strides = array<i32>} : memref<2x2048xf32, #tpu.memory_space<vmem>>, vector<16xf32>,
      tpu.vector_store %arg7[%swap3A_300, %swap3A_301], %gather3A_298 {strides = array<i32>} : memref<2x2048xf32, #tpu.memory_space<vmem>>, vector<16xf32>,
      %add3A_303 = arith.constant 112 : i32
      %add3A_304 = arith.addi %mul3A_228, %add3A_303 : i32
      %add3A_305 = arith.constant 0 : i32
      %add3A_306 = arith.addi %add3A_305, %add3A_304 : i32
      %get3A_307 = arith.index_cast %add3A_306 : i32 to index
      %get3A_308 = tpu.vector_load %arg6[%get3A_307] {strides = array<i32>} : memref<16384xi32, #tpu.memory_space<vmem>>, vector<16xi32>,
      %gather3A_309 = tpu.vector_load_idx %arg5[%mul3A_9, %get3A_308] : memref<1x100000xf32, #tpu.memory_space<vmem>>[vector<16xi32>, vector<16xi32>], vector<16xf32>,
      %swap3A_310 = arith.constant 0 : i32
      %swap3A_311 = arith.index_cast %swap3A_310 : i32 to index
      %swap3A_312 = arith.index_cast %add3A_304 : i32 to index
      %swap3A_313 = tpu.vector_load %arg7[%swap3A_311, %swap3A_312] {strides = array<i32>} : memref<2x2048xf32, #tpu.memory_space<vmem>>, vector<16xf32>,
      tpu.vector_store %arg7[%swap3A_311, %swap3A_312], %gather3A_309 {strides = array<i32>} : memref<2x2048xf32, #tpu.memory_space<vmem>>, vector<16xf32>,
      %scan3A_314 = arith.constant 0 : i32
      scf.yield %scan3A_314 : i32
    }
    %scan3A_15 = arith.constant 16 : i32
    %dma_start3A_16 = arith.constant 0 : i32
    %dma_start3A_17 = arith.constant 0 : i32
    %dma_start3A_18 = tpu.memref_slice %arg7[%dma_start3A_16, %dma_start3A_17] : memref<2x2048xf32, #tpu.memory_space<vmem>> -> memref<1x2048xf32, #tpu.memory_space<vmem>>
    %dma_start3A_19 = arith.constant 0 : i32
    %dma_start3A_20 = tpu.memref_slice %arg4[%add3A, %dma_start3A_19] : memref<32x16384xf32, #tpu.memory_space<hbm>> -> memref<1x2048xf32, #tpu.memory_space<hbm>>
    %dma_start3A_21 = arith.constant 0 : i32
    %dma_start3A_22 = tpu.memref_slice %arg4[%add3A, %dma_start3A_21] : memref<32x16384xf32, #tpu.memory_space<hbm>> -> memref<1x2048xf32, #tpu.memory_space<hbm>>
    %dma_start3A_23 = arith.constant 0 : i32
    %dma_start3A_24 = arith.constant 0 : i32
    %dma_start3A_25 = tpu.memref_slice %arg7[%dma_start3A_23, %dma_start3A_24] : memref<2x2048xf32, #tpu.memory_space<vmem>> -> memref<1x2048xf32, #tpu.memory_space<vmem>>
    tpu.enqueue_dma source(%dma_start3A_25 : memref<1x2048xf32, #tpu.memory_space<vmem>>) target(%dma_start3A_22 : memref<1x2048xf32, #tpu.memory_space<hbm>>) target_semaphore(%arg9 : memref<!tpu.dma_semaphore, #tpu.memory_space<semaphore_mem>>)
    %scan3A_26 = arith.constant 0 : i32
    %scan3A_27 = arith.constant 0 : i32
    %scan3A_28 = arith.constant 16 : i32
    %scan3A_29 = arith.addi %scan3A_27, %scan3A_28 : i32
    %scan3A_30 = arith.constant 1 : i32
    %scan3A_31 = scf.for %scan3A_225 = %scan3A_27 to %scan3A_29 step %scan3A_30 iter_args(%scan3A_226 = %scan3A_26) -> (i32)  : i32 {
      %mul3A_227 = arith.constant 128 : i32
      %mul3A_228 = arith.muli %scan3A_225, %mul3A_227 : i32
      %add3A_229 = arith.constant 0 : i32
      %add3A_230 = arith.addi %mul3A_228, %add3A_229 : i32
      %add3A_231 = arith.constant 2048 : i32
      %add3A_232 = arith.addi %add3A_231, %add3A_230 : i32
      %get3A = arith.index_cast %add3A_232 : i32 to index
      %get3A_233 = tpu.vector_load %arg6[%get3A] {strides = array<i32>} : memref<16384xi32, #tpu.memory_space<vmem>>, vector<16xi32>,
      %gather3A = tpu.vector_load_idx %arg5[%mul3A_9, %get3A_233] : memref<1x100000xf32, #tpu.memory_space<vmem>>[vector<16xi32>, vector<16xi32>], vector<16xf32>,
      %swap3A = arith.constant 1 : i32
      %swap3A_234 = arith.index_cast %swap3A : i32 to index
      %swap3A_235 = arith.index_cast %add3A_230 : i32 to index
      %swap3A_236 = tpu.vector_load %arg7[%swap3A_234, %swap3A_235] {strides = array<i32>} : memref<2x2048xf32, #tpu.memory_space<vmem>>, vector<16xf32>,
      tpu.vector_store %arg7[%swap3A_234, %swap3A_235], %gather3A {strides = array<i32>} : memref<2x2048xf32, #tpu.memory_space<vmem>>, vector<16xf32>,
      %add3A_237 = arith.constant 16 : i32
      %add3A_238 = arith.addi %mul3A_228, %add3A_237 : i32
      %add3A_239 = arith.constant 2048 : i32
      %add3A_240 = arith.addi %add3A_239, %add3A_238 : i32
      %get3A_241 = arith.index_cast %add3A_240 : i32 to index
      %get3A_242 = tpu.vector_load %arg6[%get3A_241] {strides = array<i32>} : memref<16384xi32, #tpu.memory_space<vmem>>, vector<16xi32>,
      %gather3A_243 = tpu.vector_load_idx %arg5[%mul3A_9, %get3A_242] : memref<1x100000xf32, #tpu.memory_space<vmem>>[vector<16xi32>, vector<16xi32>], vector<16xf32>,
      %swap3A_244 = arith.constant 1 : i32
      %swap3A_245 = arith.index_cast %swap3A_244 : i32 to index
      %swap3A_246 = arith.index_cast %add3A_238 : i32 to index
      %swap3A_247 = tpu.vector_load %arg7[%swap3A_245, %swap3A_246] {strides = array<i32>} : memref<2x2048xf32, #tpu.memory_space<vmem>>, vector<16xf32>,
      tpu.vector_store %arg7[%swap3A_245, %swap3A_246], %gather3A_243 {strides = array<i32>} : memref<2x2048xf32, #tpu.memory_space<vmem>>, vector<16xf32>,
      %add3A_248 = arith.constant 32 : i32
      %add3A_249 = arith.addi %mul3A_228, %add3A_248 : i32
      %add3A_250 = arith.constant 2048 : i32
      %add3A_251 = arith.addi %add3A_250, %add3A_249 : i32
      %get3A_252 = arith.index_cast %add3A_251 : i32 to index
      %get3A_253 = tpu.vector_load %arg6[%get3A_252] {strides = array<i32>} : memref<16384xi32, #tpu.memory_space<vmem>>, vector<16xi32>,
      %gather3A_254 = tpu.vector_load_idx %arg5[%mul3A_9, %get3A_253] : memref<1x100000xf32, #tpu.memory_space<vmem>>[vector<16xi32>, vector<16xi32>], vector<16xf32>,
      %swap3A_255 = arith.constant 1 : i32
      %swap3A_256 = arith.index_cast %swap3A_255 : i32 to index
      %swap3A_257 = arith.index_cast %add3A_249 : i32 to index
      %swap3A_258 = tpu.vector_load %arg7[%swap3A_256, %swap3A_257] {strides = array<i32>} : memref<2x2048xf32, #tpu.memory_space<vmem>>, vector<16xf32>,
      tpu.vector_store %arg7[%swap3A_256, %swap3A_257], %gather3A_254 {strides = array<i32>} : memref<2x2048xf32, #tpu.memory_space<vmem>>, vector<16xf32>,
      %add3A_259 = arith.constant 48 : i32
      %add3A_260 = arith.addi %mul3A_228, %add3A_259 : i32
      %add3A_261 = arith.constant 2048 : i32
      %add3A_262 = arith.addi %add3A_261, %add3A_260 : i32
      %get3A_263 = arith.index_cast %add3A_262 : i32 to index
      %get3A_264 = tpu.vector_load %arg6[%get3A_263] {strides = array<i32>} : memref<16384xi32, #tpu.memory_space<vmem>>, vector<16xi32>,
      %gather3A_265 = tpu.vector_load_idx %arg5[%mul3A_9, %get3A_264] : memref<1x100000xf32, #tpu.memory_space<vmem>>[vector<16xi32>, vector<16xi32>], vector<16xf32>,
      %swap3A_266 = arith.constant 1 : i32
      %swap3A_267 = arith.index_cast %swap3A_266 : i32 to index
      %swap3A_268 = arith.index_cast %add3A_260 : i32 to index
      %swap3A_269 = tpu.vector_load %arg7[%swap3A_267, %swap3A_268] {strides = array<i32>} : memref<2x2048xf32, #tpu.memory_space<vmem>>, vector<16xf32>,
      tpu.vector_store %arg7[%swap3A_267, %swap3A_268], %gather3A_265 {strides = array<i32>} : memref<2x2048xf32, #tpu.memory_space<vmem>>, vector<16xf32>,
      %add3A_270 = arith.constant 64 : i32
      %add3A_271 = arith.addi %mul3A_228, %add3A_270 : i32
      %add3A_272 = arith.constant 2048 : i32
      %add3A_273 = arith.addi %add3A_272, %add3A_271 : i32
      %get3A_274 = arith.index_cast %add3A_273 : i32 to index
      %get3A_275 = tpu.vector_load %arg6[%get3A_274] {strides = array<i32>} : memref<16384xi32, #tpu.memory_space<vmem>>, vector<16xi32>,
      %gather3A_276 = tpu.vector_load_idx %arg5[%mul3A_9, %get3A_275] : memref<1x100000xf32, #tpu.memory_space<vmem>>[vector<16xi32>, vector<16xi32>], vector<16xf32>,
      %swap3A_277 = arith.constant 1 : i32
      %swap3A_278 = arith.index_cast %swap3A_277 : i32 to index
      %swap3A_279 = arith.index_cast %add3A_271 : i32 to index
      %swap3A_280 = tpu.vector_load %arg7[%swap3A_278, %swap3A_279] {strides = array<i32>} : memref<2x2048xf32, #tpu.memory_space<vmem>>, vector<16xf32>,
      tpu.vector_store %arg7[%swap3A_278, %swap3A_279], %gather3A_276 {strides = array<i32>} : memref<2x2048xf32, #tpu.memory_space<vmem>>, vector<16xf32>,
      %add3A_281 = arith.constant 80 : i32
      %add3A_282 = arith.addi %mul3A_228, %add3A_281 : i32
      %add3A_283 = arith.constant 2048 : i32
      %add3A_284 = arith.addi %add3A_283, %add3A_282 : i32
      %get3A_285 = arith.index_cast %add3A_284 : i32 to index
      %get3A_286 = tpu.vector_load %arg6[%get3A_285] {strides = array<i32>} : memref<16384xi32, #tpu.memory_space<vmem>>, vector<16xi32>,
      %gather3A_287 = tpu.vector_load_idx %arg5[%mul3A_9, %get3A_286] : memref<1x100000xf32, #tpu.memory_space<vmem>>[vector<16xi32>, vector<16xi32>], vector<16xf32>,
      %swap3A_288 = arith.constant 1 : i32
      %swap3A_289 = arith.index_cast %swap3A_288 : i32 to index
      %swap3A_290 = arith.index_cast %add3A_282 : i32 to index
      %swap3A_291 = tpu.vector_load %arg7[%swap3A_289, %swap3A_290] {strides = array<i32>} : memref<2x2048xf32, #tpu.memory_space<vmem>>, vector<16xf32>,
      tpu.vector_store %arg7[%swap3A_289, %swap3A_290], %gather3A_287 {strides = array<i32>} : memref<2x2048xf32, #tpu.memory_space<vmem>>, vector<16xf32>,
      %add3A_292 = arith.constant 96 : i32
      %add3A_293 = arith.addi %mul3A_228, %add3A_292 : i32
      %add3A_294 = arith.constant 2048 : i32
      %add3A_295 = arith.addi %add3A_294, %add3A_293 : i32
      %get3A_296 = arith.index_cast %add3A_295 : i32 to index
      %get3A_297 = tpu.vector_load %arg6[%get3A_296] {strides = array<i32>} : memref<16384xi32, #tpu.memory_space<vmem>>, vector<16xi32>,
      %gather3A_298 = tpu.vector_load_idx %arg5[%mul3A_9, %get3A_297] : memref<1x100000xf32, #tpu.memory_space<vmem>>[vector<16xi32>, vector<16xi32>], vector<16xf32>,
      %swap3A_299 = arith.constant 1 : i32
      %swap3A_300 = arith.index_cast %swap3A_299 : i32 to index
      %swap3A_301 = arith.index_cast %add3A_293 : i32 to index
      %swap3A_302 = tpu.vector_load %arg7[%swap3A_300, %swap3A_301] {strides = array<i32>} : memref<2x2048xf32, #tpu.memory_space<vmem>>, vector<16xf32>,
      tpu.vector_store %arg7[%swap3A_300, %swap3A_301], %gather3A_298 {strides = array<i32>} : memref<2x2048xf32, #tpu.memory_space<vmem>>, vector<16xf32>,
      %add3A_303 = arith.constant 112 : i32
      %add3A_304 = arith.addi %mul3A_228, %add3A_303 : i32
      %add3A_305 = arith.constant 2048 : i32
      %add3A_306 = arith.addi %add3A_305, %add3A_304 : i32
      %get3A_307 = arith.index_cast %add3A_306 : i32 to index
      %get3A_308 = tpu.vector_load %arg6[%get3A_307] {strides = array<i32>} : memref<16384xi32, #tpu.memory_space<vmem>>, vector<16xi32>,
      %gather3A_309 = tpu.vector_load_idx %arg5[%mul3A_9, %get3A_308] : memref<1x100000xf32, #tpu.memory_space<vmem>>[vector<16xi32>, vector<16xi32>], vector<16xf32>,
      %swap3A_310 = arith.constant 1 : i32
      %swap3A_311 = arith.index_cast %swap3A_310 : i32 to index
      %swap3A_312 = arith.index_cast %add3A_304 : i32 to index
      %swap3A_313 = tpu.vector_load %arg7[%swap3A_311, %swap3A_312] {strides = array<i32>} : memref<2x2048xf32, #tpu.memory_space<vmem>>, vector<16xf32>,
      tpu.vector_store %arg7[%swap3A_311, %swap3A_312], %gather3A_309 {strides = array<i32>} : memref<2x2048xf32, #tpu.memory_space<vmem>>, vector<16xf32>,
      %scan3A_314 = arith.constant 0 : i32
      scf.yield %scan3A_314 : i32
    }
    %scan3A_32 = arith.constant 16 : i32
    %dma_start3A_33 = arith.constant 1 : i32
    %dma_start3A_34 = arith.constant 0 : i32
    %dma_start3A_35 = tpu.memref_slice %arg7[%dma_start3A_33, %dma_start3A_34] : memref<2x2048xf32, #tpu.memory_space<vmem>> -> memref<1x2048xf32, #tpu.memory_space<vmem>>
    %dma_start3A_36 = arith.constant 2048 : i32
    %dma_start3A_37 = tpu.memref_slice %arg4[%add3A, %dma_start3A_36] : memref<32x16384xf32, #tpu.memory_space<hbm>> -> memref<1x2048xf32, #tpu.memory_space<hbm>>
    %dma_start3A_38 = arith.constant 2048 : i32
    %dma_start3A_39 = tpu.memref_slice %arg4[%add3A, %dma_start3A_38] : memref<32x16384xf32, #tpu.memory_space<hbm>> -> memref<1x2048xf32, #tpu.memory_space<hbm>>
    %dma_start3A_40 = arith.constant 1 : i32
    %dma_start3A_41 = arith.constant 0 : i32
    %dma_start3A_42 = tpu.memref_slice %arg7[%dma_start3A_40, %dma_start3A_41] : memref<2x2048xf32, #tpu.memory_space<vmem>> -> memref<1x2048xf32, #tpu.memory_space<vmem>>
    tpu.enqueue_dma source(%dma_start3A_42 : memref<1x2048xf32, #tpu.memory_space<vmem>>) target(%dma_start3A_39 : memref<1x2048xf32, #tpu.memory_space<hbm>>) target_semaphore(%arg9 : memref<!tpu.dma_semaphore, #tpu.memory_space<semaphore_mem>>)
    %dma_wait3A_43 = arith.constant 0 : i32
    %dma_wait3A_44 = arith.constant 0 : i32
    %dma_wait3A_45 = tpu.memref_slice %arg7[%dma_wait3A_43, %dma_wait3A_44] : memref<2x2048xf32, #tpu.memory_space<vmem>> -> memref<1x2048xf32, #tpu.memory_space<vmem>>
    %dma_wait3A_46 = arith.constant 0 : i32
    %dma_wait3A_47 = tpu.memref_slice %arg4[%add3A, %dma_wait3A_46] : memref<32x16384xf32, #tpu.memory_space<hbm>> -> memref<1x2048xf32, #tpu.memory_space<hbm>>
    %dma_wait3A_48 = arith.constant 0 : i32
    %dma_wait3A_49 = tpu.memref_slice %arg4[%add3A, %dma_wait3A_48] : memref<32x16384xf32, #tpu.memory_space<hbm>> -> memref<1x2048xf32, #tpu.memory_space<hbm>>
    %dma_wait3A_50 = arith.constant 0 : i32
    %dma_wait3A_51 = arith.constant 0 : i32
    %dma_wait3A_52 = tpu.memref_slice %arg7[%dma_wait3A_50, %dma_wait3A_51] : memref<2x2048xf32, #tpu.memory_space<vmem>> -> memref<1x2048xf32, #tpu.memory_space<vmem>>
    tpu.wait_dma2 semaphore(%arg9 : memref<!tpu.dma_semaphore, #tpu.memory_space<semaphore_mem>>) src(%dma_wait3A_52 : memref<1x2048xf32, #tpu.memory_space<vmem>>) dst(%dma_wait3A_49 : memref<1x2048xf32, #tpu.memory_space<hbm>>)
    %scan3A_53 = arith.constant 0 : i32
    %scan3A_54 = arith.constant 0 : i32
    %scan3A_55 = arith.constant 16 : i32
    %scan3A_56 = arith.addi %scan3A_54, %scan3A_55 : i32
    %scan3A_57 = arith.constant 1 : i32
    %scan3A_58 = scf.for %scan3A_225 = %scan3A_54 to %scan3A_56 step %scan3A_57 iter_args(%scan3A_226 = %scan3A_53) -> (i32)  : i32 {
      %mul3A_227 = arith.constant 128 : i32
      %mul3A_228 = arith.muli %scan3A_225, %mul3A_227 : i32
      %add3A_229 = arith.constant 0 : i32
      %add3A_230 = arith.addi %mul3A_228, %add3A_229 : i32
      %add3A_231 = arith.constant 4096 : i32
      %add3A_232 = arith.addi %add3A_231, %add3A_230 : i32
      %get3A = arith.index_cast %add3A_232 : i32 to index
      %get3A_233 = tpu.vector_load %arg6[%get3A] {strides = array<i32>} : memref<16384xi32, #tpu.memory_space<vmem>>, vector<16xi32>,
      %gather3A = tpu.vector_load_idx %arg5[%mul3A_9, %get3A_233] : memref<1x100000xf32, #tpu.memory_space<vmem>>[vector<16xi32>, vector<16xi32>], vector<16xf32>,
      %swap3A = arith.constant 0 : i32
      %swap3A_234 = arith.index_cast %swap3A : i32 to index
      %swap3A_235 = arith.index_cast %add3A_230 : i32 to index
      %swap3A_236 = tpu.vector_load %arg7[%swap3A_234, %swap3A_235] {strides = array<i32>} : memref<2x2048xf32, #tpu.memory_space<vmem>>, vector<16xf32>,
      tpu.vector_store %arg7[%swap3A_234, %swap3A_235], %gather3A {strides = array<i32>} : memref<2x2048xf32, #tpu.memory_space<vmem>>, vector<16xf32>,
      %add3A_237 = arith.constant 16 : i32
      %add3A_238 = arith.addi %mul3A_228, %add3A_237 : i32
      %add3A_239 = arith.constant 4096 : i32
      %add3A_240 = arith.addi %add3A_239, %add3A_238 : i32
      %get3A_241 = arith.index_cast %add3A_240 : i32 to index
      %get3A_242 = tpu.vector_load %arg6[%get3A_241] {strides = array<i32>} : memref<16384xi32, #tpu.memory_space<vmem>>, vector<16xi32>,
      %gather3A_243 = tpu.vector_load_idx %arg5[%mul3A_9, %get3A_242] : memref<1x100000xf32, #tpu.memory_space<vmem>>[vector<16xi32>, vector<16xi32>], vector<16xf32>,
      %swap3A_244 = arith.constant 0 : i32
      %swap3A_245 = arith.index_cast %swap3A_244 : i32 to index
      %swap3A_246 = arith.index_cast %add3A_238 : i32 to index
      %swap3A_247 = tpu.vector_load %arg7[%swap3A_245, %swap3A_246] {strides = array<i32>} : memref<2x2048xf32, #tpu.memory_space<vmem>>, vector<16xf32>,
      tpu.vector_store %arg7[%swap3A_245, %swap3A_246], %gather3A_243 {strides = array<i32>} : memref<2x2048xf32, #tpu.memory_space<vmem>>, vector<16xf32>,
      %add3A_248 = arith.constant 32 : i32
      %add3A_249 = arith.addi %mul3A_228, %add3A_248 : i32
      %add3A_250 = arith.constant 4096 : i32
      %add3A_251 = arith.addi %add3A_250, %add3A_249 : i32
      %get3A_252 = arith.index_cast %add3A_251 : i32 to index
      %get3A_253 = tpu.vector_load %arg6[%get3A_252] {strides = array<i32>} : memref<16384xi32, #tpu.memory_space<vmem>>, vector<16xi32>,
      %gather3A_254 = tpu.vector_load_idx %arg5[%mul3A_9, %get3A_253] : memref<1x100000xf32, #tpu.memory_space<vmem>>[vector<16xi32>, vector<16xi32>], vector<16xf32>,
      %swap3A_255 = arith.constant 0 : i32
      %swap3A_256 = arith.index_cast %swap3A_255 : i32 to index
      %swap3A_257 = arith.index_cast %add3A_249 : i32 to index
      %swap3A_258 = tpu.vector_load %arg7[%swap3A_256, %swap3A_257] {strides = array<i32>} : memref<2x2048xf32, #tpu.memory_space<vmem>>, vector<16xf32>,
      tpu.vector_store %arg7[%swap3A_256, %swap3A_257], %gather3A_254 {strides = array<i32>} : memref<2x2048xf32, #tpu.memory_space<vmem>>, vector<16xf32>,
      %add3A_259 = arith.constant 48 : i32
      %add3A_260 = arith.addi %mul3A_228, %add3A_259 : i32
      %add3A_261 = arith.constant 4096 : i32
      %add3A_262 = arith.addi %add3A_261, %add3A_260 : i32
      %get3A_263 = arith.index_cast %add3A_262 : i32 to index
      %get3A_264 = tpu.vector_load %arg6[%get3A_263] {strides = array<i32>} : memref<16384xi32, #tpu.memory_space<vmem>>, vector<16xi32>,
      %gather3A_265 = tpu.vector_load_idx %arg5[%mul3A_9, %get3A_264] : memref<1x100000xf32, #tpu.memory_space<vmem>>[vector<16xi32>, vector<16xi32>], vector<16xf32>,
      %swap3A_266 = arith.constant 0 : i32
      %swap3A_267 = arith.index_cast %swap3A_266 : i32 to index
      %swap3A_268 = arith.index_cast %add3A_260 : i32 to index
      %swap3A_269 = tpu.vector_load %arg7[%swap3A_267, %swap3A_268] {strides = array<i32>} : memref<2x2048xf32, #tpu.memory_space<vmem>>, vector<16xf32>,
      tpu.vector_store %arg7[%swap3A_267, %swap3A_268], %gather3A_265 {strides = array<i32>} : memref<2x2048xf32, #tpu.memory_space<vmem>>, vector<16xf32>,
      %add3A_270 = arith.constant 64 : i32
      %add3A_271 = arith.addi %mul3A_228, %add3A_270 : i32
      %add3A_272 = arith.constant 4096 : i32
      %add3A_273 = arith.addi %add3A_272, %add3A_271 : i32
      %get3A_274 = arith.index_cast %add3A_273 : i32 to index
      %get3A_275 = tpu.vector_load %arg6[%get3A_274] {strides = array<i32>} : memref<16384xi32, #tpu.memory_space<vmem>>, vector<16xi32>,
      %gather3A_276 = tpu.vector_load_idx %arg5[%mul3A_9, %get3A_275] : memref<1x100000xf32, #tpu.memory_space<vmem>>[vector<16xi32>, vector<16xi32>], vector<16xf32>,
      %swap3A_277 = arith.constant 0 : i32
      %swap3A_278 = arith.index_cast %swap3A_277 : i32 to index
      %swap3A_279 = arith.index_cast %add3A_271 : i32 to index
      %swap3A_280 = tpu.vector_load %arg7[%swap3A_278, %swap3A_279] {strides = array<i32>} : memref<2x2048xf32, #tpu.memory_space<vmem>>, vector<16xf32>,
      tpu.vector_store %arg7[%swap3A_278, %swap3A_279], %gather3A_276 {strides = array<i32>} : memref<2x2048xf32, #tpu.memory_space<vmem>>, vector<16xf32>,
      %add3A_281 = arith.constant 80 : i32
      %add3A_282 = arith.addi %mul3A_228, %add3A_281 : i32
      %add3A_283 = arith.constant 4096 : i32
      %add3A_284 = arith.addi %add3A_283, %add3A_282 : i32
      %get3A_285 = arith.index_cast %add3A_284 : i32 to index
      %get3A_286 = tpu.vector_load %arg6[%get3A_285] {strides = array<i32>} : memref<16384xi32, #tpu.memory_space<vmem>>, vector<16xi32>,
      %gather3A_287 = tpu.vector_load_idx %arg5[%mul3A_9, %get3A_286] : memref<1x100000xf32, #tpu.memory_space<vmem>>[vector<16xi32>, vector<16xi32>], vector<16xf32>,
      %swap3A_288 = arith.constant 0 : i32
      %swap3A_289 = arith.index_cast %swap3A_288 : i32 to index
      %swap3A_290 = arith.index_cast %add3A_282 : i32 to index
      %swap3A_291 = tpu.vector_load %arg7[%swap3A_289, %swap3A_290] {strides = array<i32>} : memref<2x2048xf32, #tpu.memory_space<vmem>>, vector<16xf32>,
      tpu.vector_store %arg7[%swap3A_289, %swap3A_290], %gather3A_287 {strides = array<i32>} : memref<2x2048xf32, #tpu.memory_space<vmem>>, vector<16xf32>,
      %add3A_292 = arith.constant 96 : i32
      %add3A_293 = arith.addi %mul3A_228, %add3A_292 : i32
      %add3A_294 = arith.constant 4096 : i32
      %add3A_295 = arith.addi %add3A_294, %add3A_293 : i32
      %get3A_296 = arith.index_cast %add3A_295 : i32 to index
      %get3A_297 = tpu.vector_load %arg6[%get3A_296] {strides = array<i32>} : memref<16384xi32, #tpu.memory_space<vmem>>, vector<16xi32>,
      %gather3A_298 = tpu.vector_load_idx %arg5[%mul3A_9, %get3A_297] : memref<1x100000xf32, #tpu.memory_space<vmem>>[vector<16xi32>, vector<16xi32>], vector<16xf32>,
      %swap3A_299 = arith.constant 0 : i32
      %swap3A_300 = arith.index_cast %swap3A_299 : i32 to index
      %swap3A_301 = arith.index_cast %add3A_293 : i32 to index
      %swap3A_302 = tpu.vector_load %arg7[%swap3A_300, %swap3A_301] {strides = array<i32>} : memref<2x2048xf32, #tpu.memory_space<vmem>>, vector<16xf32>,
      tpu.vector_store %arg7[%swap3A_300, %swap3A_301], %gather3A_298 {strides = array<i32>} : memref<2x2048xf32, #tpu.memory_space<vmem>>, vector<16xf32>,
      %add3A_303 = arith.constant 112 : i32
      %add3A_304 = arith.addi %mul3A_228, %add3A_303 : i32
      %add3A_305 = arith.constant 4096 : i32
      %add3A_306 = arith.addi %add3A_305, %add3A_304 : i32
      %get3A_307 = arith.index_cast %add3A_306 : i32 to index
      %get3A_308 = tpu.vector_load %arg6[%get3A_307] {strides = array<i32>} : memref<16384xi32, #tpu.memory_space<vmem>>, vector<16xi32>,
      %gather3A_309 = tpu.vector_load_idx %arg5[%mul3A_9, %get3A_308] : memref<1x100000xf32, #tpu.memory_space<vmem>>[vector<16xi32>, vector<16xi32>], vector<16xf32>,
      %swap3A_310 = arith.constant 0 : i32
      %swap3A_311 = arith.index_cast %swap3A_310 : i32 to index
      %swap3A_312 = arith.index_cast %add3A_304 : i32 to index
      %swap3A_313 = tpu.vector_load %arg7[%swap3A_311, %swap3A_312] {strides = array<i32>} : memref<2x2048xf32, #tpu.memory_space<vmem>>, vector<16xf32>,
      tpu.vector_store %arg7[%swap3A_311, %swap3A_312], %gather3A_309 {strides = array<i32>} : memref<2x2048xf32, #tpu.memory_space<vmem>>, vector<16xf32>,
      %scan3A_314 = arith.constant 0 : i32
      scf.yield %scan3A_314 : i32
    }
    %scan3A_59 = arith.constant 16 : i32
    %dma_start3A_60 = arith.constant 0 : i32
    %dma_start3A_61 = arith.constant 0 : i32
    %dma_start3A_62 = tpu.memref_slice %arg7[%dma_start3A_60, %dma_start3A_61] : memref<2x2048xf32, #tpu.memory_space<vmem>> -> memref<1x2048xf32, #tpu.memory_space<vmem>>
    %dma_start3A_63 = arith.constant 4096 : i32
    %dma_start3A_64 = tpu.memref_slice %arg4[%add3A, %dma_start3A_63] : memref<32x16384xf32, #tpu.memory_space<hbm>> -> memref<1x2048xf32, #tpu.memory_space<hbm>>
    %dma_start3A_65 = arith.constant 4096 : i32
    %dma_start3A_66 = tpu.memref_slice %arg4[%add3A, %dma_start3A_65] : memref<32x16384xf32, #tpu.memory_space<hbm>> -> memref<1x2048xf32, #tpu.memory_space<hbm>>
    %dma_start3A_67 = arith.constant 0 : i32
    %dma_start3A_68 = arith.constant 0 : i32
    %dma_start3A_69 = tpu.memref_slice %arg7[%dma_start3A_67, %dma_start3A_68] : memref<2x2048xf32, #tpu.memory_space<vmem>> -> memref<1x2048xf32, #tpu.memory_space<vmem>>
    tpu.enqueue_dma source(%dma_start3A_69 : memref<1x2048xf32, #tpu.memory_space<vmem>>) target(%dma_start3A_66 : memref<1x2048xf32, #tpu.memory_space<hbm>>) target_semaphore(%arg9 : memref<!tpu.dma_semaphore, #tpu.memory_space<semaphore_mem>>)
    %dma_wait3A_70 = arith.constant 1 : i32
    %dma_wait3A_71 = arith.constant 0 : i32
    %dma_wait3A_72 = tpu.memref_slice %arg7[%dma_wait3A_70, %dma_wait3A_71] : memref<2x2048xf32, #tpu.memory_space<vmem>> -> memref<1x2048xf32, #tpu.memory_space<vmem>>
    %dma_wait3A_73 = arith.constant 2048 : i32
    %dma_wait3A_74 = tpu.memref_slice %arg4[%add3A, %dma_wait3A_73] : memref<32x16384xf32, #tpu.memory_space<hbm>> -> memref<1x2048xf32, #tpu.memory_space<hbm>>
    %dma_wait3A_75 = arith.constant 2048 : i32
    %dma_wait3A_76 = tpu.memref_slice %arg4[%add3A, %dma_wait3A_75] : memref<32x16384xf32, #tpu.memory_space<hbm>> -> memref<1x2048xf32, #tpu.memory_space<hbm>>
    %dma_wait3A_77 = arith.constant 1 : i32
    %dma_wait3A_78 = arith.constant 0 : i32
    %dma_wait3A_79 = tpu.memref_slice %arg7[%dma_wait3A_77, %dma_wait3A_78] : memref<2x2048xf32, #tpu.memory_space<vmem>> -> memref<1x2048xf32, #tpu.memory_space<vmem>>
    tpu.wait_dma2 semaphore(%arg9 : memref<!tpu.dma_semaphore, #tpu.memory_space<semaphore_mem>>) src(%dma_wait3A_79 : memref<1x2048xf32, #tpu.memory_space<vmem>>) dst(%dma_wait3A_76 : memref<1x2048xf32, #tpu.memory_space<hbm>>)
    %scan3A_80 = arith.constant 0 : i32
    %scan3A_81 = arith.constant 0 : i32
    %scan3A_82 = arith.constant 16 : i32
    %scan3A_83 = arith.addi %scan3A_81, %scan3A_82 : i32
    %scan3A_84 = arith.constant 1 : i32
    %scan3A_85 = scf.for %scan3A_225 = %scan3A_81 to %scan3A_83 step %scan3A_84 iter_args(%scan3A_226 = %scan3A_80) -> (i32)  : i32 {
      %mul3A_227 = arith.constant 128 : i32
      %mul3A_228 = arith.muli %scan3A_225, %mul3A_227 : i32
      %add3A_229 = arith.constant 0 : i32
      %add3A_230 = arith.addi %mul3A_228, %add3A_229 : i32
      %add3A_231 = arith.constant 6144 : i32
      %add3A_232 = arith.addi %add3A_231, %add3A_230 : i32
      %get3A = arith.index_cast %add3A_232 : i32 to index
      %get3A_233 = tpu.vector_load %arg6[%get3A] {strides = array<i32>} : memref<16384xi32, #tpu.memory_space<vmem>>, vector<16xi32>,
      %gather3A = tpu.vector_load_idx %arg5[%mul3A_9, %get3A_233] : memref<1x100000xf32, #tpu.memory_space<vmem>>[vector<16xi32>, vector<16xi32>], vector<16xf32>,
      %swap3A = arith.constant 1 : i32
      %swap3A_234 = arith.index_cast %swap3A : i32 to index
      %swap3A_235 = arith.index_cast %add3A_230 : i32 to index
      %swap3A_236 = tpu.vector_load %arg7[%swap3A_234, %swap3A_235] {strides = array<i32>} : memref<2x2048xf32, #tpu.memory_space<vmem>>, vector<16xf32>,
      tpu.vector_store %arg7[%swap3A_234, %swap3A_235], %gather3A {strides = array<i32>} : memref<2x2048xf32, #tpu.memory_space<vmem>>, vector<16xf32>,
      %add3A_237 = arith.constant 16 : i32
      %add3A_238 = arith.addi %mul3A_228, %add3A_237 : i32
      %add3A_239 = arith.constant 6144 : i32
      %add3A_240 = arith.addi %add3A_239, %add3A_238 : i32
      %get3A_241 = arith.index_cast %add3A_240 : i32 to index
      %get3A_242 = tpu.vector_load %arg6[%get3A_241] {strides = array<i32>} : memref<16384xi32, #tpu.memory_space<vmem>>, vector<16xi32>,
      %gather3A_243 = tpu.vector_load_idx %arg5[%mul3A_9, %get3A_242] : memref<1x100000xf32, #tpu.memory_space<vmem>>[vector<16xi32>, vector<16xi32>], vector<16xf32>,
      %swap3A_244 = arith.constant 1 : i32
      %swap3A_245 = arith.index_cast %swap3A_244 : i32 to index
      %swap3A_246 = arith.index_cast %add3A_238 : i32 to index
      %swap3A_247 = tpu.vector_load %arg7[%swap3A_245, %swap3A_246] {strides = array<i32>} : memref<2x2048xf32, #tpu.memory_space<vmem>>, vector<16xf32>,
      tpu.vector_store %arg7[%swap3A_245, %swap3A_246], %gather3A_243 {strides = array<i32>} : memref<2x2048xf32, #tpu.memory_space<vmem>>, vector<16xf32>,
      %add3A_248 = arith.constant 32 : i32
      %add3A_249 = arith.addi %mul3A_228, %add3A_248 : i32
      %add3A_250 = arith.constant 6144 : i32
      %add3A_251 = arith.addi %add3A_250, %add3A_249 : i32
      %get3A_252 = arith.index_cast %add3A_251 : i32 to index
      %get3A_253 = tpu.vector_load %arg6[%get3A_252] {strides = array<i32>} : memref<16384xi32, #tpu.memory_space<vmem>>, vector<16xi32>,
      %gather3A_254 = tpu.vector_load_idx %arg5[%mul3A_9, %get3A_253] : memref<1x100000xf32, #tpu.memory_space<vmem>>[vector<16xi32>, vector<16xi32>], vector<16xf32>,
      %swap3A_255 = arith.constant 1 : i32
      %swap3A_256 = arith.index_cast %swap3A_255 : i32 to index
      %swap3A_257 = arith.index_cast %add3A_249 : i32 to index
      %swap3A_258 = tpu.vector_load %arg7[%swap3A_256, %swap3A_257] {strides = array<i32>} : memref<2x2048xf32, #tpu.memory_space<vmem>>, vector<16xf32>,
      tpu.vector_store %arg7[%swap3A_256, %swap3A_257], %gather3A_254 {strides = array<i32>} : memref<2x2048xf32, #tpu.memory_space<vmem>>, vector<16xf32>,
      %add3A_259 = arith.constant 48 : i32
      %add3A_260 = arith.addi %mul3A_228, %add3A_259 : i32
      %add3A_261 = arith.constant 6144 : i32
      %add3A_262 = arith.addi %add3A_261, %add3A_260 : i32
      %get3A_263 = arith.index_cast %add3A_262 : i32 to index
      %get3A_264 = tpu.vector_load %arg6[%get3A_263] {strides = array<i32>} : memref<16384xi32, #tpu.memory_space<vmem>>, vector<16xi32>,
      %gather3A_265 = tpu.vector_load_idx %arg5[%mul3A_9, %get3A_264] : memref<1x100000xf32, #tpu.memory_space<vmem>>[vector<16xi32>, vector<16xi32>], vector<16xf32>,
      %swap3A_266 = arith.constant 1 : i32
      %swap3A_267 = arith.index_cast %swap3A_266 : i32 to index
      %swap3A_268 = arith.index_cast %add3A_260 : i32 to index
      %swap3A_269 = tpu.vector_load %arg7[%swap3A_267, %swap3A_268] {strides = array<i32>} : memref<2x2048xf32, #tpu.memory_space<vmem>>, vector<16xf32>,
      tpu.vector_store %arg7[%swap3A_267, %swap3A_268], %gather3A_265 {strides = array<i32>} : memref<2x2048xf32, #tpu.memory_space<vmem>>, vector<16xf32>,
      %add3A_270 = arith.constant 64 : i32
      %add3A_271 = arith.addi %mul3A_228, %add3A_270 : i32
      %add3A_272 = arith.constant 6144 : i32
      %add3A_273 = arith.addi %add3A_272, %add3A_271 : i32
      %get3A_274 = arith.index_cast %add3A_273 : i32 to index
      %get3A_275 = tpu.vector_load %arg6[%get3A_274] {strides = array<i32>} : memref<16384xi32, #tpu.memory_space<vmem>>, vector<16xi32>,
      %gather3A_276 = tpu.vector_load_idx %arg5[%mul3A_9, %get3A_275] : memref<1x100000xf32, #tpu.memory_space<vmem>>[vector<16xi32>, vector<16xi32>], vector<16xf32>,
      %swap3A_277 = arith.constant 1 : i32
      %swap3A_278 = arith.index_cast %swap3A_277 : i32 to index
      %swap3A_279 = arith.index_cast %add3A_271 : i32 to index
      %swap3A_280 = tpu.vector_load %arg7[%swap3A_278, %swap3A_279] {strides = array<i32>} : memref<2x2048xf32, #tpu.memory_space<vmem>>, vector<16xf32>,
      tpu.vector_store %arg7[%swap3A_278, %swap3A_279], %gather3A_276 {strides = array<i32>} : memref<2x2048xf32, #tpu.memory_space<vmem>>, vector<16xf32>,
      %add3A_281 = arith.constant 80 : i32
      %add3A_282 = arith.addi %mul3A_228, %add3A_281 : i32
      %add3A_283 = arith.constant 6144 : i32
      %add3A_284 = arith.addi %add3A_283, %add3A_282 : i32
      %get3A_285 = arith.index_cast %add3A_284 : i32 to index
      %get3A_286 = tpu.vector_load %arg6[%get3A_285] {strides = array<i32>} : memref<16384xi32, #tpu.memory_space<vmem>>, vector<16xi32>,
      %gather3A_287 = tpu.vector_load_idx %arg5[%mul3A_9, %get3A_286] : memref<1x100000xf32, #tpu.memory_space<vmem>>[vector<16xi32>, vector<16xi32>], vector<16xf32>,
      %swap3A_288 = arith.constant 1 : i32
      %swap3A_289 = arith.index_cast %swap3A_288 : i32 to index
      %swap3A_290 = arith.index_cast %add3A_282 : i32 to index
      %swap3A_291 = tpu.vector_load %arg7[%swap3A_289, %swap3A_290] {strides = array<i32>} : memref<2x2048xf32, #tpu.memory_space<vmem>>, vector<16xf32>,
      tpu.vector_store %arg7[%swap3A_289, %swap3A_290], %gather3A_287 {strides = array<i32>} : memref<2x2048xf32, #tpu.memory_space<vmem>>, vector<16xf32>,
      %add3A_292 = arith.constant 96 : i32
      %add3A_293 = arith.addi %mul3A_228, %add3A_292 : i32
      %add3A_294 = arith.constant 6144 : i32
      %add3A_295 = arith.addi %add3A_294, %add3A_293 : i32
      %get3A_296 = arith.index_cast %add3A_295 : i32 to index
      %get3A_297 = tpu.vector_load %arg6[%get3A_296] {strides = array<i32>} : memref<16384xi32, #tpu.memory_space<vmem>>, vector<16xi32>,
      %gather3A_298 = tpu.vector_load_idx %arg5[%mul3A_9, %get3A_297] : memref<1x100000xf32, #tpu.memory_space<vmem>>[vector<16xi32>, vector<16xi32>], vector<16xf32>,
      %swap3A_299 = arith.constant 1 : i32
      %swap3A_300 = arith.index_cast %swap3A_299 : i32 to index
      %swap3A_301 = arith.index_cast %add3A_293 : i32 to index
      %swap3A_302 = tpu.vector_load %arg7[%swap3A_300, %swap3A_301] {strides = array<i32>} : memref<2x2048xf32, #tpu.memory_space<vmem>>, vector<16xf32>,
      tpu.vector_store %arg7[%swap3A_300, %swap3A_301], %gather3A_298 {strides = array<i32>} : memref<2x2048xf32, #tpu.memory_space<vmem>>, vector<16xf32>,
      %add3A_303 = arith.constant 112 : i32
      %add3A_304 = arith.addi %mul3A_228, %add3A_303 : i32
      %add3A_305 = arith.constant 6144 : i32
      %add3A_306 = arith.addi %add3A_305, %add3A_304 : i32
      %get3A_307 = arith.index_cast %add3A_306 : i32 to index
      %get3A_308 = tpu.vector_load %arg6[%get3A_307] {strides = array<i32>} : memref<16384xi32, #tpu.memory_space<vmem>>, vector<16xi32>,
      %gather3A_309 = tpu.vector_load_idx %arg5[%mul3A_9, %get3A_308] : memref<1x100000xf32, #tpu.memory_space<vmem>>[vector<16xi32>, vector<16xi32>], vector<16xf32>,
      %swap3A_310 = arith.constant 1 : i32
      %swap3A_311 = arith.index_cast %swap3A_310 : i32 to index
      %swap3A_312 = arith.index_cast %add3A_304 : i32 to index
      %swap3A_313 = tpu.vector_load %arg7[%swap3A_311, %swap3A_312] {strides = array<i32>} : memref<2x2048xf32, #tpu.memory_space<vmem>>, vector<16xf32>,
      tpu.vector_store %arg7[%swap3A_311, %swap3A_312], %gather3A_309 {strides = array<i32>} : memref<2x2048xf32, #tpu.memory_space<vmem>>, vector<16xf32>,
      %scan3A_314 = arith.constant 0 : i32
      scf.yield %scan3A_314 : i32
    }
    %scan3A_86 = arith.constant 16 : i32
    %dma_start3A_87 = arith.constant 1 : i32
    %dma_start3A_88 = arith.constant 0 : i32
    %dma_start3A_89 = tpu.memref_slice %arg7[%dma_start3A_87, %dma_start3A_88] : memref<2x2048xf32, #tpu.memory_space<vmem>> -> memref<1x2048xf32, #tpu.memory_space<vmem>>
    %dma_start3A_90 = arith.constant 6144 : i32
    %dma_start3A_91 = tpu.memref_slice %arg4[%add3A, %dma_start3A_90] : memref<32x16384xf32, #tpu.memory_space<hbm>> -> memref<1x2048xf32, #tpu.memory_space<hbm>>
    %dma_start3A_92 = arith.constant 6144 : i32
    %dma_start3A_93 = tpu.memref_slice %arg4[%add3A, %dma_start3A_92] : memref<32x16384xf32, #tpu.memory_space<hbm>> -> memref<1x2048xf32, #tpu.memory_space<hbm>>
    %dma_start3A_94 = arith.constant 1 : i32
    %dma_start3A_95 = arith.constant 0 : i32
    %dma_start3A_96 = tpu.memref_slice %arg7[%dma_start3A_94, %dma_start3A_95] : memref<2x2048xf32, #tpu.memory_space<vmem>> -> memref<1x2048xf32, #tpu.memory_space<vmem>>
    tpu.enqueue_dma source(%dma_start3A_96 : memref<1x2048xf32, #tpu.memory_space<vmem>>) target(%dma_start3A_93 : memref<1x2048xf32, #tpu.memory_space<hbm>>) target_semaphore(%arg9 : memref<!tpu.dma_semaphore, #tpu.memory_space<semaphore_mem>>)
    %dma_wait3A_97 = arith.constant 0 : i32
    %dma_wait3A_98 = arith.constant 0 : i32
    %dma_wait3A_99 = tpu.memref_slice %arg7[%dma_wait3A_97, %dma_wait3A_98] : memref<2x2048xf32, #tpu.memory_space<vmem>> -> memref<1x2048xf32, #tpu.memory_space<vmem>>
    %dma_wait3A_100 = arith.constant 4096 : i32
    %dma_wait3A_101 = tpu.memref_slice %arg4[%add3A, %dma_wait3A_100] : memref<32x16384xf32, #tpu.memory_space<hbm>> -> memref<1x2048xf32, #tpu.memory_space<hbm>>
    %dma_wait3A_102 = arith.constant 4096 : i32
    %dma_wait3A_103 = tpu.memref_slice %arg4[%add3A, %dma_wait3A_102] : memref<32x16384xf32, #tpu.memory_space<hbm>> -> memref<1x2048xf32, #tpu.memory_space<hbm>>
    %dma_wait3A_104 = arith.constant 0 : i32
    %dma_wait3A_105 = arith.constant 0 : i32
    %dma_wait3A_106 = tpu.memref_slice %arg7[%dma_wait3A_104, %dma_wait3A_105] : memref<2x2048xf32, #tpu.memory_space<vmem>> -> memref<1x2048xf32, #tpu.memory_space<vmem>>
    tpu.wait_dma2 semaphore(%arg9 : memref<!tpu.dma_semaphore, #tpu.memory_space<semaphore_mem>>) src(%dma_wait3A_106 : memref<1x2048xf32, #tpu.memory_space<vmem>>) dst(%dma_wait3A_103 : memref<1x2048xf32, #tpu.memory_space<hbm>>)
    %scan3A_107 = arith.constant 0 : i32
    %scan3A_108 = arith.constant 0 : i32
    %scan3A_109 = arith.constant 16 : i32
    %scan3A_110 = arith.addi %scan3A_108, %scan3A_109 : i32
    %scan3A_111 = arith.constant 1 : i32
    %scan3A_112 = scf.for %scan3A_225 = %scan3A_108 to %scan3A_110 step %scan3A_111 iter_args(%scan3A_226 = %scan3A_107) -> (i32)  : i32 {
      %mul3A_227 = arith.constant 128 : i32
      %mul3A_228 = arith.muli %scan3A_225, %mul3A_227 : i32
      %add3A_229 = arith.constant 0 : i32
      %add3A_230 = arith.addi %mul3A_228, %add3A_229 : i32
      %add3A_231 = arith.constant 8192 : i32
      %add3A_232 = arith.addi %add3A_231, %add3A_230 : i32
      %get3A = arith.index_cast %add3A_232 : i32 to index
      %get3A_233 = tpu.vector_load %arg6[%get3A] {strides = array<i32>} : memref<16384xi32, #tpu.memory_space<vmem>>, vector<16xi32>,
      %gather3A = tpu.vector_load_idx %arg5[%mul3A_9, %get3A_233] : memref<1x100000xf32, #tpu.memory_space<vmem>>[vector<16xi32>, vector<16xi32>], vector<16xf32>,
      %swap3A = arith.constant 0 : i32
      %swap3A_234 = arith.index_cast %swap3A : i32 to index
      %swap3A_235 = arith.index_cast %add3A_230 : i32 to index
      %swap3A_236 = tpu.vector_load %arg7[%swap3A_234, %swap3A_235] {strides = array<i32>} : memref<2x2048xf32, #tpu.memory_space<vmem>>, vector<16xf32>,
      tpu.vector_store %arg7[%swap3A_234, %swap3A_235], %gather3A {strides = array<i32>} : memref<2x2048xf32, #tpu.memory_space<vmem>>, vector<16xf32>,
      %add3A_237 = arith.constant 16 : i32
      %add3A_238 = arith.addi %mul3A_228, %add3A_237 : i32
      %add3A_239 = arith.constant 8192 : i32
      %add3A_240 = arith.addi %add3A_239, %add3A_238 : i32
      %get3A_241 = arith.index_cast %add3A_240 : i32 to index
      %get3A_242 = tpu.vector_load %arg6[%get3A_241] {strides = array<i32>} : memref<16384xi32, #tpu.memory_space<vmem>>, vector<16xi32>,
      %gather3A_243 = tpu.vector_load_idx %arg5[%mul3A_9, %get3A_242] : memref<1x100000xf32, #tpu.memory_space<vmem>>[vector<16xi32>, vector<16xi32>], vector<16xf32>,
      %swap3A_244 = arith.constant 0 : i32
      %swap3A_245 = arith.index_cast %swap3A_244 : i32 to index
      %swap3A_246 = arith.index_cast %add3A_238 : i32 to index
      %swap3A_247 = tpu.vector_load %arg7[%swap3A_245, %swap3A_246] {strides = array<i32>} : memref<2x2048xf32, #tpu.memory_space<vmem>>, vector<16xf32>,
      tpu.vector_store %arg7[%swap3A_245, %swap3A_246], %gather3A_243 {strides = array<i32>} : memref<2x2048xf32, #tpu.memory_space<vmem>>, vector<16xf32>,
      %add3A_248 = arith.constant 32 : i32
      %add3A_249 = arith.addi %mul3A_228, %add3A_248 : i32
      %add3A_250 = arith.constant 8192 : i32
      %add3A_251 = arith.addi %add3A_250, %add3A_249 : i32
      %get3A_252 = arith.index_cast %add3A_251 : i32 to index
      %get3A_253 = tpu.vector_load %arg6[%get3A_252] {strides = array<i32>} : memref<16384xi32, #tpu.memory_space<vmem>>, vector<16xi32>,
      %gather3A_254 = tpu.vector_load_idx %arg5[%mul3A_9, %get3A_253] : memref<1x100000xf32, #tpu.memory_space<vmem>>[vector<16xi32>, vector<16xi32>], vector<16xf32>,
      %swap3A_255 = arith.constant 0 : i32
      %swap3A_256 = arith.index_cast %swap3A_255 : i32 to index
      %swap3A_257 = arith.index_cast %add3A_249 : i32 to index
      %swap3A_258 = tpu.vector_load %arg7[%swap3A_256, %swap3A_257] {strides = array<i32>} : memref<2x2048xf32, #tpu.memory_space<vmem>>, vector<16xf32>,
      tpu.vector_store %arg7[%swap3A_256, %swap3A_257], %gather3A_254 {strides = array<i32>} : memref<2x2048xf32, #tpu.memory_space<vmem>>, vector<16xf32>,
      %add3A_259 = arith.constant 48 : i32
      %add3A_260 = arith.addi %mul3A_228, %add3A_259 : i32
      %add3A_261 = arith.constant 8192 : i32
      %add3A_262 = arith.addi %add3A_261, %add3A_260 : i32
      %get3A_263 = arith.index_cast %add3A_262 : i32 to index
      %get3A_264 = tpu.vector_load %arg6[%get3A_263] {strides = array<i32>} : memref<16384xi32, #tpu.memory_space<vmem>>, vector<16xi32>,
      %gather3A_265 = tpu.vector_load_idx %arg5[%mul3A_9, %get3A_264] : memref<1x100000xf32, #tpu.memory_space<vmem>>[vector<16xi32>, vector<16xi32>], vector<16xf32>,
      %swap3A_266 = arith.constant 0 : i32
      %swap3A_267 = arith.index_cast %swap3A_266 : i32 to index
      %swap3A_268 = arith.index_cast %add3A_260 : i32 to index
      %swap3A_269 = tpu.vector_load %arg7[%swap3A_267, %swap3A_268] {strides = array<i32>} : memref<2x2048xf32, #tpu.memory_space<vmem>>, vector<16xf32>,
      tpu.vector_store %arg7[%swap3A_267, %swap3A_268], %gather3A_265 {strides = array<i32>} : memref<2x2048xf32, #tpu.memory_space<vmem>>, vector<16xf32>,
      %add3A_270 = arith.constant 64 : i32
      %add3A_271 = arith.addi %mul3A_228, %add3A_270 : i32
      %add3A_272 = arith.constant 8192 : i32
      %add3A_273 = arith.addi %add3A_272, %add3A_271 : i32
      %get3A_274 = arith.index_cast %add3A_273 : i32 to index
      %get3A_275 = tpu.vector_load %arg6[%get3A_274] {strides = array<i32>} : memref<16384xi32, #tpu.memory_space<vmem>>, vector<16xi32>,
      %gather3A_276 = tpu.vector_load_idx %arg5[%mul3A_9, %get3A_275] : memref<1x100000xf32, #tpu.memory_space<vmem>>[vector<16xi32>, vector<16xi32>], vector<16xf32>,
      %swap3A_277 = arith.constant 0 : i32
      %swap3A_278 = arith.index_cast %swap3A_277 : i32 to index
      %swap3A_279 = arith.index_cast %add3A_271 : i32 to index
      %swap3A_280 = tpu.vector_load %arg7[%swap3A_278, %swap3A_279] {strides = array<i32>} : memref<2x2048xf32, #tpu.memory_space<vmem>>, vector<16xf32>,
      tpu.vector_store %arg7[%swap3A_278, %swap3A_279], %gather3A_276 {strides = array<i32>} : memref<2x2048xf32, #tpu.memory_space<vmem>>, vector<16xf32>,
      %add3A_281 = arith.constant 80 : i32
      %add3A_282 = arith.addi %mul3A_228, %add3A_281 : i32
      %add3A_283 = arith.constant 8192 : i32
      %add3A_284 = arith.addi %add3A_283, %add3A_282 : i32
      %get3A_285 = arith.index_cast %add3A_284 : i32 to index
      %get3A_286 = tpu.vector_load %arg6[%get3A_285] {strides = array<i32>} : memref<16384xi32, #tpu.memory_space<vmem>>, vector<16xi32>,
      %gather3A_287 = tpu.vector_load_idx %arg5[%mul3A_9, %get3A_286] : memref<1x100000xf32, #tpu.memory_space<vmem>>[vector<16xi32>, vector<16xi32>], vector<16xf32>,
      %swap3A_288 = arith.constant 0 : i32
      %swap3A_289 = arith.index_cast %swap3A_288 : i32 to index
      %swap3A_290 = arith.index_cast %add3A_282 : i32 to index
      %swap3A_291 = tpu.vector_load %arg7[%swap3A_289, %swap3A_290] {strides = array<i32>} : memref<2x2048xf32, #tpu.memory_space<vmem>>, vector<16xf32>,
      tpu.vector_store %arg7[%swap3A_289, %swap3A_290], %gather3A_287 {strides = array<i32>} : memref<2x2048xf32, #tpu.memory_space<vmem>>, vector<16xf32>,
      %add3A_292 = arith.constant 96 : i32
      %add3A_293 = arith.addi %mul3A_228, %add3A_292 : i32
      %add3A_294 = arith.constant 8192 : i32
      %add3A_295 = arith.addi %add3A_294, %add3A_293 : i32
      %get3A_296 = arith.index_cast %add3A_295 : i32 to index
      %get3A_297 = tpu.vector_load %arg6[%get3A_296] {strides = array<i32>} : memref<16384xi32, #tpu.memory_space<vmem>>, vector<16xi32>,
      %gather3A_298 = tpu.vector_load_idx %arg5[%mul3A_9, %get3A_297] : memref<1x100000xf32, #tpu.memory_space<vmem>>[vector<16xi32>, vector<16xi32>], vector<16xf32>,
      %swap3A_299 = arith.constant 0 : i32
      %swap3A_300 = arith.index_cast %swap3A_299 : i32 to index
      %swap3A_301 = arith.index_cast %add3A_293 : i32 to index
      %swap3A_302 = tpu.vector_load %arg7[%swap3A_300, %swap3A_301] {strides = array<i32>} : memref<2x2048xf32, #tpu.memory_space<vmem>>, vector<16xf32>,
      tpu.vector_store %arg7[%swap3A_300, %swap3A_301], %gather3A_298 {strides = array<i32>} : memref<2x2048xf32, #tpu.memory_space<vmem>>, vector<16xf32>,
      %add3A_303 = arith.constant 112 : i32
      %add3A_304 = arith.addi %mul3A_228, %add3A_303 : i32
      %add3A_305 = arith.constant 8192 : i32
      %add3A_306 = arith.addi %add3A_305, %add3A_304 : i32
      %get3A_307 = arith.index_cast %add3A_306 : i32 to index
      %get3A_308 = tpu.vector_load %arg6[%get3A_307] {strides = array<i32>} : memref<16384xi32, #tpu.memory_space<vmem>>, vector<16xi32>,
      %gather3A_309 = tpu.vector_load_idx %arg5[%mul3A_9, %get3A_308] : memref<1x100000xf32, #tpu.memory_space<vmem>>[vector<16xi32>, vector<16xi32>], vector<16xf32>,
      %swap3A_310 = arith.constant 0 : i32
      %swap3A_311 = arith.index_cast %swap3A_310 : i32 to index
      %swap3A_312 = arith.index_cast %add3A_304 : i32 to index
      %swap3A_313 = tpu.vector_load %arg7[%swap3A_311, %swap3A_312] {strides = array<i32>} : memref<2x2048xf32, #tpu.memory_space<vmem>>, vector<16xf32>,
      tpu.vector_store %arg7[%swap3A_311, %swap3A_312], %gather3A_309 {strides = array<i32>} : memref<2x2048xf32, #tpu.memory_space<vmem>>, vector<16xf32>,
      %scan3A_314 = arith.constant 0 : i32
      scf.yield %scan3A_314 : i32
    }
    %scan3A_113 = arith.constant 16 : i32
    %dma_start3A_114 = arith.constant 0 : i32
    %dma_start3A_115 = arith.constant 0 : i32
    %dma_start3A_116 = tpu.memref_slice %arg7[%dma_start3A_114, %dma_start3A_115] : memref<2x2048xf32, #tpu.memory_space<vmem>> -> memref<1x2048xf32, #tpu.memory_space<vmem>>
    %dma_start3A_117 = arith.constant 8192 : i32
    %dma_start3A_118 = tpu.memref_slice %arg4[%add3A, %dma_start3A_117] : memref<32x16384xf32, #tpu.memory_space<hbm>> -> memref<1x2048xf32, #tpu.memory_space<hbm>>
    %dma_start3A_119 = arith.constant 8192 : i32
    %dma_start3A_120 = tpu.memref_slice %arg4[%add3A, %dma_start3A_119] : memref<32x16384xf32, #tpu.memory_space<hbm>> -> memref<1x2048xf32, #tpu.memory_space<hbm>>
    %dma_start3A_121 = arith.constant 0 : i32
    %dma_start3A_122 = arith.constant 0 : i32
    %dma_start3A_123 = tpu.memref_slice %arg7[%dma_start3A_121, %dma_start3A_122] : memref<2x2048xf32, #tpu.memory_space<vmem>> -> memref<1x2048xf32, #tpu.memory_space<vmem>>
    tpu.enqueue_dma source(%dma_start3A_123 : memref<1x2048xf32, #tpu.memory_space<vmem>>) target(%dma_start3A_120 : memref<1x2048xf32, #tpu.memory_space<hbm>>) target_semaphore(%arg9 : memref<!tpu.dma_semaphore, #tpu.memory_space<semaphore_mem>>)
    %dma_wait3A_124 = arith.constant 1 : i32
    %dma_wait3A_125 = arith.constant 0 : i32
    %dma_wait3A_126 = tpu.memref_slice %arg7[%dma_wait3A_124, %dma_wait3A_125] : memref<2x2048xf32, #tpu.memory_space<vmem>> -> memref<1x2048xf32, #tpu.memory_space<vmem>>
    %dma_wait3A_127 = arith.constant 6144 : i32
    %dma_wait3A_128 = tpu.memref_slice %arg4[%add3A, %dma_wait3A_127] : memref<32x16384xf32, #tpu.memory_space<hbm>> -> memref<1x2048xf32, #tpu.memory_space<hbm>>
    %dma_wait3A_129 = arith.constant 6144 : i32
    %dma_wait3A_130 = tpu.memref_slice %arg4[%add3A, %dma_wait3A_129] : memref<32x16384xf32, #tpu.memory_space<hbm>> -> memref<1x2048xf32, #tpu.memory_space<hbm>>
    %dma_wait3A_131 = arith.constant 1 : i32
    %dma_wait3A_132 = arith.constant 0 : i32
    %dma_wait3A_133 = tpu.memref_slice %arg7[%dma_wait3A_131, %dma_wait3A_132] : memref<2x2048xf32, #tpu.memory_space<vmem>> -> memref<1x2048xf32, #tpu.memory_space<vmem>>
    tpu.wait_dma2 semaphore(%arg9 : memref<!tpu.dma_semaphore, #tpu.memory_space<semaphore_mem>>) src(%dma_wait3A_133 : memref<1x2048xf32, #tpu.memory_space<vmem>>) dst(%dma_wait3A_130 : memref<1x2048xf32, #tpu.memory_space<hbm>>)
    %scan3A_134 = arith.constant 0 : i32
    %scan3A_135 = arith.constant 0 : i32
    %scan3A_136 = arith.constant 16 : i32
    %scan3A_137 = arith.addi %scan3A_135, %scan3A_136 : i32
    %scan3A_138 = arith.constant 1 : i32
    %scan3A_139 = scf.for %scan3A_225 = %scan3A_135 to %scan3A_137 step %scan3A_138 iter_args(%scan3A_226 = %scan3A_134) -> (i32)  : i32 {
      %mul3A_227 = arith.constant 128 : i32
      %mul3A_228 = arith.muli %scan3A_225, %mul3A_227 : i32
      %add3A_229 = arith.constant 0 : i32
      %add3A_230 = arith.addi %mul3A_228, %add3A_229 : i32
      %add3A_231 = arith.constant 10240 : i32
      %add3A_232 = arith.addi %add3A_231, %add3A_230 : i32
      %get3A = arith.index_cast %add3A_232 : i32 to index
      %get3A_233 = tpu.vector_load %arg6[%get3A] {strides = array<i32>} : memref<16384xi32, #tpu.memory_space<vmem>>, vector<16xi32>,
      %gather3A = tpu.vector_load_idx %arg5[%mul3A_9, %get3A_233] : memref<1x100000xf32, #tpu.memory_space<vmem>>[vector<16xi32>, vector<16xi32>], vector<16xf32>,
      %swap3A = arith.constant 1 : i32
      %swap3A_234 = arith.index_cast %swap3A : i32 to index
      %swap3A_235 = arith.index_cast %add3A_230 : i32 to index
      %swap3A_236 = tpu.vector_load %arg7[%swap3A_234, %swap3A_235] {strides = array<i32>} : memref<2x2048xf32, #tpu.memory_space<vmem>>, vector<16xf32>,
      tpu.vector_store %arg7[%swap3A_234, %swap3A_235], %gather3A {strides = array<i32>} : memref<2x2048xf32, #tpu.memory_space<vmem>>, vector<16xf32>,
      %add3A_237 = arith.constant 16 : i32
      %add3A_238 = arith.addi %mul3A_228, %add3A_237 : i32
      %add3A_239 = arith.constant 10240 : i32
      %add3A_240 = arith.addi %add3A_239, %add3A_238 : i32
      %get3A_241 = arith.index_cast %add3A_240 : i32 to index
      %get3A_242 = tpu.vector_load %arg6[%get3A_241] {strides = array<i32>} : memref<16384xi32, #tpu.memory_space<vmem>>, vector<16xi32>,
      %gather3A_243 = tpu.vector_load_idx %arg5[%mul3A_9, %get3A_242] : memref<1x100000xf32, #tpu.memory_space<vmem>>[vector<16xi32>, vector<16xi32>], vector<16xf32>,
      %swap3A_244 = arith.constant 1 : i32
      %swap3A_245 = arith.index_cast %swap3A_244 : i32 to index
      %swap3A_246 = arith.index_cast %add3A_238 : i32 to index
      %swap3A_247 = tpu.vector_load %arg7[%swap3A_245, %swap3A_246] {strides = array<i32>} : memref<2x2048xf32, #tpu.memory_space<vmem>>, vector<16xf32>,
      tpu.vector_store %arg7[%swap3A_245, %swap3A_246], %gather3A_243 {strides = array<i32>} : memref<2x2048xf32, #tpu.memory_space<vmem>>, vector<16xf32>,
      %add3A_248 = arith.constant 32 : i32
      %add3A_249 = arith.addi %mul3A_228, %add3A_248 : i32
      %add3A_250 = arith.constant 10240 : i32
      %add3A_251 = arith.addi %add3A_250, %add3A_249 : i32
      %get3A_252 = arith.index_cast %add3A_251 : i32 to index
      %get3A_253 = tpu.vector_load %arg6[%get3A_252] {strides = array<i32>} : memref<16384xi32, #tpu.memory_space<vmem>>, vector<16xi32>,
      %gather3A_254 = tpu.vector_load_idx %arg5[%mul3A_9, %get3A_253] : memref<1x100000xf32, #tpu.memory_space<vmem>>[vector<16xi32>, vector<16xi32>], vector<16xf32>,
      %swap3A_255 = arith.constant 1 : i32
      %swap3A_256 = arith.index_cast %swap3A_255 : i32 to index
      %swap3A_257 = arith.index_cast %add3A_249 : i32 to index
      %swap3A_258 = tpu.vector_load %arg7[%swap3A_256, %swap3A_257] {strides = array<i32>} : memref<2x2048xf32, #tpu.memory_space<vmem>>, vector<16xf32>,
      tpu.vector_store %arg7[%swap3A_256, %swap3A_257], %gather3A_254 {strides = array<i32>} : memref<2x2048xf32, #tpu.memory_space<vmem>>, vector<16xf32>,
      %add3A_259 = arith.constant 48 : i32
      %add3A_260 = arith.addi %mul3A_228, %add3A_259 : i32
      %add3A_261 = arith.constant 10240 : i32
      %add3A_262 = arith.addi %add3A_261, %add3A_260 : i32
      %get3A_263 = arith.index_cast %add3A_262 : i32 to index
      %get3A_264 = tpu.vector_load %arg6[%get3A_263] {strides = array<i32>} : memref<16384xi32, #tpu.memory_space<vmem>>, vector<16xi32>,
      %gather3A_265 = tpu.vector_load_idx %arg5[%mul3A_9, %get3A_264] : memref<1x100000xf32, #tpu.memory_space<vmem>>[vector<16xi32>, vector<16xi32>], vector<16xf32>,
      %swap3A_266 = arith.constant 1 : i32
      %swap3A_267 = arith.index_cast %swap3A_266 : i32 to index
      %swap3A_268 = arith.index_cast %add3A_260 : i32 to index
      %swap3A_269 = tpu.vector_load %arg7[%swap3A_267, %swap3A_268] {strides = array<i32>} : memref<2x2048xf32, #tpu.memory_space<vmem>>, vector<16xf32>,
      tpu.vector_store %arg7[%swap3A_267, %swap3A_268], %gather3A_265 {strides = array<i32>} : memref<2x2048xf32, #tpu.memory_space<vmem>>, vector<16xf32>,
      %add3A_270 = arith.constant 64 : i32
      %add3A_271 = arith.addi %mul3A_228, %add3A_270 : i32
      %add3A_272 = arith.constant 10240 : i32
      %add3A_273 = arith.addi %add3A_272, %add3A_271 : i32
      %get3A_274 = arith.index_cast %add3A_273 : i32 to index
      %get3A_275 = tpu.vector_load %arg6[%get3A_274] {strides = array<i32>} : memref<16384xi32, #tpu.memory_space<vmem>>, vector<16xi32>,
      %gather3A_276 = tpu.vector_load_idx %arg5[%mul3A_9, %get3A_275] : memref<1x100000xf32, #tpu.memory_space<vmem>>[vector<16xi32>, vector<16xi32>], vector<16xf32>,
      %swap3A_277 = arith.constant 1 : i32
      %swap3A_278 = arith.index_cast %swap3A_277 : i32 to index
      %swap3A_279 = arith.index_cast %add3A_271 : i32 to index
      %swap3A_280 = tpu.vector_load %arg7[%swap3A_278, %swap3A_279] {strides = array<i32>} : memref<2x2048xf32, #tpu.memory_space<vmem>>, vector<16xf32>,
      tpu.vector_store %arg7[%swap3A_278, %swap3A_279], %gather3A_276 {strides = array<i32>} : memref<2x2048xf32, #tpu.memory_space<vmem>>, vector<16xf32>,
      %add3A_281 = arith.constant 80 : i32
      %add3A_282 = arith.addi %mul3A_228, %add3A_281 : i32
      %add3A_283 = arith.constant 10240 : i32
      %add3A_284 = arith.addi %add3A_283, %add3A_282 : i32
      %get3A_285 = arith.index_cast %add3A_284 : i32 to index
      %get3A_286 = tpu.vector_load %arg6[%get3A_285] {strides = array<i32>} : memref<16384xi32, #tpu.memory_space<vmem>>, vector<16xi32>,
      %gather3A_287 = tpu.vector_load_idx %arg5[%mul3A_9, %get3A_286] : memref<1x100000xf32, #tpu.memory_space<vmem>>[vector<16xi32>, vector<16xi32>], vector<16xf32>,
      %swap3A_288 = arith.constant 1 : i32
      %swap3A_289 = arith.index_cast %swap3A_288 : i32 to index
      %swap3A_290 = arith.index_cast %add3A_282 : i32 to index
      %swap3A_291 = tpu.vector_load %arg7[%swap3A_289, %swap3A_290] {strides = array<i32>} : memref<2x2048xf32, #tpu.memory_space<vmem>>, vector<16xf32>,
      tpu.vector_store %arg7[%swap3A_289, %swap3A_290], %gather3A_287 {strides = array<i32>} : memref<2x2048xf32, #tpu.memory_space<vmem>>, vector<16xf32>,
      %add3A_292 = arith.constant 96 : i32
      %add3A_293 = arith.addi %mul3A_228, %add3A_292 : i32
      %add3A_294 = arith.constant 10240 : i32
      %add3A_295 = arith.addi %add3A_294, %add3A_293 : i32
      %get3A_296 = arith.index_cast %add3A_295 : i32 to index
      %get3A_297 = tpu.vector_load %arg6[%get3A_296] {strides = array<i32>} : memref<16384xi32, #tpu.memory_space<vmem>>, vector<16xi32>,
      %gather3A_298 = tpu.vector_load_idx %arg5[%mul3A_9, %get3A_297] : memref<1x100000xf32, #tpu.memory_space<vmem>>[vector<16xi32>, vector<16xi32>], vector<16xf32>,
      %swap3A_299 = arith.constant 1 : i32
      %swap3A_300 = arith.index_cast %swap3A_299 : i32 to index
      %swap3A_301 = arith.index_cast %add3A_293 : i32 to index
      %swap3A_302 = tpu.vector_load %arg7[%swap3A_300, %swap3A_301] {strides = array<i32>} : memref<2x2048xf32, #tpu.memory_space<vmem>>, vector<16xf32>,
      tpu.vector_store %arg7[%swap3A_300, %swap3A_301], %gather3A_298 {strides = array<i32>} : memref<2x2048xf32, #tpu.memory_space<vmem>>, vector<16xf32>,
      %add3A_303 = arith.constant 112 : i32
      %add3A_304 = arith.addi %mul3A_228, %add3A_303 : i32
      %add3A_305 = arith.constant 10240 : i32
      %add3A_306 = arith.addi %add3A_305, %add3A_304 : i32
      %get3A_307 = arith.index_cast %add3A_306 : i32 to index
      %get3A_308 = tpu.vector_load %arg6[%get3A_307] {strides = array<i32>} : memref<16384xi32, #tpu.memory_space<vmem>>, vector<16xi32>,
      %gather3A_309 = tpu.vector_load_idx %arg5[%mul3A_9, %get3A_308] : memref<1x100000xf32, #tpu.memory_space<vmem>>[vector<16xi32>, vector<16xi32>], vector<16xf32>,
      %swap3A_310 = arith.constant 1 : i32
      %swap3A_311 = arith.index_cast %swap3A_310 : i32 to index
      %swap3A_312 = arith.index_cast %add3A_304 : i32 to index
      %swap3A_313 = tpu.vector_load %arg7[%swap3A_311, %swap3A_312] {strides = array<i32>} : memref<2x2048xf32, #tpu.memory_space<vmem>>, vector<16xf32>,
      tpu.vector_store %arg7[%swap3A_311, %swap3A_312], %gather3A_309 {strides = array<i32>} : memref<2x2048xf32, #tpu.memory_space<vmem>>, vector<16xf32>,
      %scan3A_314 = arith.constant 0 : i32
      scf.yield %scan3A_314 : i32
    }
    %scan3A_140 = arith.constant 16 : i32
    %dma_start3A_141 = arith.constant 1 : i32
    %dma_start3A_142 = arith.constant 0 : i32
    %dma_start3A_143 = tpu.memref_slice %arg7[%dma_start3A_141, %dma_start3A_142] : memref<2x2048xf32, #tpu.memory_space<vmem>> -> memref<1x2048xf32, #tpu.memory_space<vmem>>
    %dma_start3A_144 = arith.constant 10240 : i32
    %dma_start3A_145 = tpu.memref_slice %arg4[%add3A, %dma_start3A_144] : memref<32x16384xf32, #tpu.memory_space<hbm>> -> memref<1x2048xf32, #tpu.memory_space<hbm>>
    %dma_start3A_146 = arith.constant 10240 : i32
    %dma_start3A_147 = tpu.memref_slice %arg4[%add3A, %dma_start3A_146] : memref<32x16384xf32, #tpu.memory_space<hbm>> -> memref<1x2048xf32, #tpu.memory_space<hbm>>
    %dma_start3A_148 = arith.constant 1 : i32
    %dma_start3A_149 = arith.constant 0 : i32
    %dma_start3A_150 = tpu.memref_slice %arg7[%dma_start3A_148, %dma_start3A_149] : memref<2x2048xf32, #tpu.memory_space<vmem>> -> memref<1x2048xf32, #tpu.memory_space<vmem>>
    tpu.enqueue_dma source(%dma_start3A_150 : memref<1x2048xf32, #tpu.memory_space<vmem>>) target(%dma_start3A_147 : memref<1x2048xf32, #tpu.memory_space<hbm>>) target_semaphore(%arg9 : memref<!tpu.dma_semaphore, #tpu.memory_space<semaphore_mem>>)
    %dma_wait3A_151 = arith.constant 0 : i32
    %dma_wait3A_152 = arith.constant 0 : i32
    %dma_wait3A_153 = tpu.memref_slice %arg7[%dma_wait3A_151, %dma_wait3A_152] : memref<2x2048xf32, #tpu.memory_space<vmem>> -> memref<1x2048xf32, #tpu.memory_space<vmem>>
    %dma_wait3A_154 = arith.constant 8192 : i32
    %dma_wait3A_155 = tpu.memref_slice %arg4[%add3A, %dma_wait3A_154] : memref<32x16384xf32, #tpu.memory_space<hbm>> -> memref<1x2048xf32, #tpu.memory_space<hbm>>
    %dma_wait3A_156 = arith.constant 8192 : i32
    %dma_wait3A_157 = tpu.memref_slice %arg4[%add3A, %dma_wait3A_156] : memref<32x16384xf32, #tpu.memory_space<hbm>> -> memref<1x2048xf32, #tpu.memory_space<hbm>>
    %dma_wait3A_158 = arith.constant 0 : i32
    %dma_wait3A_159 = arith.constant 0 : i32
    %dma_wait3A_160 = tpu.memref_slice %arg7[%dma_wait3A_158, %dma_wait3A_159] : memref<2x2048xf32, #tpu.memory_space<vmem>> -> memref<1x2048xf32, #tpu.memory_space<vmem>>
    tpu.wait_dma2 semaphore(%arg9 : memref<!tpu.dma_semaphore, #tpu.memory_space<semaphore_mem>>) src(%dma_wait3A_160 : memref<1x2048xf32, #tpu.memory_space<vmem>>) dst(%dma_wait3A_157 : memref<1x2048xf32, #tpu.memory_space<hbm>>)
    %scan3A_161 = arith.constant 0 : i32
    %scan3A_162 = arith.constant 0 : i32
    %scan3A_163 = arith.constant 16 : i32
    %scan3A_164 = arith.addi %scan3A_162, %scan3A_163 : i32
    %scan3A_165 = arith.constant 1 : i32
    %scan3A_166 = scf.for %scan3A_225 = %scan3A_162 to %scan3A_164 step %scan3A_165 iter_args(%scan3A_226 = %scan3A_161) -> (i32)  : i32 {
      %mul3A_227 = arith.constant 128 : i32
      %mul3A_228 = arith.muli %scan3A_225, %mul3A_227 : i32
      %add3A_229 = arith.constant 0 : i32
      %add3A_230 = arith.addi %mul3A_228, %add3A_229 : i32
      %add3A_231 = arith.constant 12288 : i32
      %add3A_232 = arith.addi %add3A_231, %add3A_230 : i32
      %get3A = arith.index_cast %add3A_232 : i32 to index
      %get3A_233 = tpu.vector_load %arg6[%get3A] {strides = array<i32>} : memref<16384xi32, #tpu.memory_space<vmem>>, vector<16xi32>,
      %gather3A = tpu.vector_load_idx %arg5[%mul3A_9, %get3A_233] : memref<1x100000xf32, #tpu.memory_space<vmem>>[vector<16xi32>, vector<16xi32>], vector<16xf32>,
      %swap3A = arith.constant 0 : i32
      %swap3A_234 = arith.index_cast %swap3A : i32 to index
      %swap3A_235 = arith.index_cast %add3A_230 : i32 to index
      %swap3A_236 = tpu.vector_load %arg7[%swap3A_234, %swap3A_235] {strides = array<i32>} : memref<2x2048xf32, #tpu.memory_space<vmem>>, vector<16xf32>,
      tpu.vector_store %arg7[%swap3A_234, %swap3A_235], %gather3A {strides = array<i32>} : memref<2x2048xf32, #tpu.memory_space<vmem>>, vector<16xf32>,
      %add3A_237 = arith.constant 16 : i32
      %add3A_238 = arith.addi %mul3A_228, %add3A_237 : i32
      %add3A_239 = arith.constant 12288 : i32
      %add3A_240 = arith.addi %add3A_239, %add3A_238 : i32
      %get3A_241 = arith.index_cast %add3A_240 : i32 to index
      %get3A_242 = tpu.vector_load %arg6[%get3A_241] {strides = array<i32>} : memref<16384xi32, #tpu.memory_space<vmem>>, vector<16xi32>,
      %gather3A_243 = tpu.vector_load_idx %arg5[%mul3A_9, %get3A_242] : memref<1x100000xf32, #tpu.memory_space<vmem>>[vector<16xi32>, vector<16xi32>], vector<16xf32>,
      %swap3A_244 = arith.constant 0 : i32
      %swap3A_245 = arith.index_cast %swap3A_244 : i32 to index
      %swap3A_246 = arith.index_cast %add3A_238 : i32 to index
      %swap3A_247 = tpu.vector_load %arg7[%swap3A_245, %swap3A_246] {strides = array<i32>} : memref<2x2048xf32, #tpu.memory_space<vmem>>, vector<16xf32>,
      tpu.vector_store %arg7[%swap3A_245, %swap3A_246], %gather3A_243 {strides = array<i32>} : memref<2x2048xf32, #tpu.memory_space<vmem>>, vector<16xf32>,
      %add3A_248 = arith.constant 32 : i32
      %add3A_249 = arith.addi %mul3A_228, %add3A_248 : i32
      %add3A_250 = arith.constant 12288 : i32
      %add3A_251 = arith.addi %add3A_250, %add3A_249 : i32
      %get3A_252 = arith.index_cast %add3A_251 : i32 to index
      %get3A_253 = tpu.vector_load %arg6[%get3A_252] {strides = array<i32>} : memref<16384xi32, #tpu.memory_space<vmem>>, vector<16xi32>,
      %gather3A_254 = tpu.vector_load_idx %arg5[%mul3A_9, %get3A_253] : memref<1x100000xf32, #tpu.memory_space<vmem>>[vector<16xi32>, vector<16xi32>], vector<16xf32>,
      %swap3A_255 = arith.constant 0 : i32
      %swap3A_256 = arith.index_cast %swap3A_255 : i32 to index
      %swap3A_257 = arith.index_cast %add3A_249 : i32 to index
      %swap3A_258 = tpu.vector_load %arg7[%swap3A_256, %swap3A_257] {strides = array<i32>} : memref<2x2048xf32, #tpu.memory_space<vmem>>, vector<16xf32>,
      tpu.vector_store %arg7[%swap3A_256, %swap3A_257], %gather3A_254 {strides = array<i32>} : memref<2x2048xf32, #tpu.memory_space<vmem>>, vector<16xf32>,
      %add3A_259 = arith.constant 48 : i32
      %add3A_260 = arith.addi %mul3A_228, %add3A_259 : i32
      %add3A_261 = arith.constant 12288 : i32
      %add3A_262 = arith.addi %add3A_261, %add3A_260 : i32
      %get3A_263 = arith.index_cast %add3A_262 : i32 to index
      %get3A_264 = tpu.vector_load %arg6[%get3A_263] {strides = array<i32>} : memref<16384xi32, #tpu.memory_space<vmem>>, vector<16xi32>,
      %gather3A_265 = tpu.vector_load_idx %arg5[%mul3A_9, %get3A_264] : memref<1x100000xf32, #tpu.memory_space<vmem>>[vector<16xi32>, vector<16xi32>], vector<16xf32>,
      %swap3A_266 = arith.constant 0 : i32
      %swap3A_267 = arith.index_cast %swap3A_266 : i32 to index
      %swap3A_268 = arith.index_cast %add3A_260 : i32 to index
      %swap3A_269 = tpu.vector_load %arg7[%swap3A_267, %swap3A_268] {strides = array<i32>} : memref<2x2048xf32, #tpu.memory_space<vmem>>, vector<16xf32>,
      tpu.vector_store %arg7[%swap3A_267, %swap3A_268], %gather3A_265 {strides = array<i32>} : memref<2x2048xf32, #tpu.memory_space<vmem>>, vector<16xf32>,
      %add3A_270 = arith.constant 64 : i32
      %add3A_271 = arith.addi %mul3A_228, %add3A_270 : i32
      %add3A_272 = arith.constant 12288 : i32
      %add3A_273 = arith.addi %add3A_272, %add3A_271 : i32
      %get3A_274 = arith.index_cast %add3A_273 : i32 to index
      %get3A_275 = tpu.vector_load %arg6[%get3A_274] {strides = array<i32>} : memref<16384xi32, #tpu.memory_space<vmem>>, vector<16xi32>,
      %gather3A_276 = tpu.vector_load_idx %arg5[%mul3A_9, %get3A_275] : memref<1x100000xf32, #tpu.memory_space<vmem>>[vector<16xi32>, vector<16xi32>], vector<16xf32>,
      %swap3A_277 = arith.constant 0 : i32
      %swap3A_278 = arith.index_cast %swap3A_277 : i32 to index
      %swap3A_279 = arith.index_cast %add3A_271 : i32 to index
      %swap3A_280 = tpu.vector_load %arg7[%swap3A_278, %swap3A_279] {strides = array<i32>} : memref<2x2048xf32, #tpu.memory_space<vmem>>, vector<16xf32>,
      tpu.vector_store %arg7[%swap3A_278, %swap3A_279], %gather3A_276 {strides = array<i32>} : memref<2x2048xf32, #tpu.memory_space<vmem>>, vector<16xf32>,
      %add3A_281 = arith.constant 80 : i32
      %add3A_282 = arith.addi %mul3A_228, %add3A_281 : i32
      %add3A_283 = arith.constant 12288 : i32
      %add3A_284 = arith.addi %add3A_283, %add3A_282 : i32
      %get3A_285 = arith.index_cast %add3A_284 : i32 to index
      %get3A_286 = tpu.vector_load %arg6[%get3A_285] {strides = array<i32>} : memref<16384xi32, #tpu.memory_space<vmem>>, vector<16xi32>,
      %gather3A_287 = tpu.vector_load_idx %arg5[%mul3A_9, %get3A_286] : memref<1x100000xf32, #tpu.memory_space<vmem>>[vector<16xi32>, vector<16xi32>], vector<16xf32>,
      %swap3A_288 = arith.constant 0 : i32
      %swap3A_289 = arith.index_cast %swap3A_288 : i32 to index
      %swap3A_290 = arith.index_cast %add3A_282 : i32 to index
      %swap3A_291 = tpu.vector_load %arg7[%swap3A_289, %swap3A_290] {strides = array<i32>} : memref<2x2048xf32, #tpu.memory_space<vmem>>, vector<16xf32>,
      tpu.vector_store %arg7[%swap3A_289, %swap3A_290], %gather3A_287 {strides = array<i32>} : memref<2x2048xf32, #tpu.memory_space<vmem>>, vector<16xf32>,
      %add3A_292 = arith.constant 96 : i32
      %add3A_293 = arith.addi %mul3A_228, %add3A_292 : i32
      %add3A_294 = arith.constant 12288 : i32
      %add3A_295 = arith.addi %add3A_294, %add3A_293 : i32
      %get3A_296 = arith.index_cast %add3A_295 : i32 to index
      %get3A_297 = tpu.vector_load %arg6[%get3A_296] {strides = array<i32>} : memref<16384xi32, #tpu.memory_space<vmem>>, vector<16xi32>,
      %gather3A_298 = tpu.vector_load_idx %arg5[%mul3A_9, %get3A_297] : memref<1x100000xf32, #tpu.memory_space<vmem>>[vector<16xi32>, vector<16xi32>], vector<16xf32>,
      %swap3A_299 = arith.constant 0 : i32
      %swap3A_300 = arith.index_cast %swap3A_299 : i32 to index
      %swap3A_301 = arith.index_cast %add3A_293 : i32 to index
      %swap3A_302 = tpu.vector_load %arg7[%swap3A_300, %swap3A_301] {strides = array<i32>} : memref<2x2048xf32, #tpu.memory_space<vmem>>, vector<16xf32>,
      tpu.vector_store %arg7[%swap3A_300, %swap3A_301], %gather3A_298 {strides = array<i32>} : memref<2x2048xf32, #tpu.memory_space<vmem>>, vector<16xf32>,
      %add3A_303 = arith.constant 112 : i32
      %add3A_304 = arith.addi %mul3A_228, %add3A_303 : i32
      %add3A_305 = arith.constant 12288 : i32
      %add3A_306 = arith.addi %add3A_305, %add3A_304 : i32
      %get3A_307 = arith.index_cast %add3A_306 : i32 to index
      %get3A_308 = tpu.vector_load %arg6[%get3A_307] {strides = array<i32>} : memref<16384xi32, #tpu.memory_space<vmem>>, vector<16xi32>,
      %gather3A_309 = tpu.vector_load_idx %arg5[%mul3A_9, %get3A_308] : memref<1x100000xf32, #tpu.memory_space<vmem>>[vector<16xi32>, vector<16xi32>], vector<16xf32>,
      %swap3A_310 = arith.constant 0 : i32
      %swap3A_311 = arith.index_cast %swap3A_310 : i32 to index
      %swap3A_312 = arith.index_cast %add3A_304 : i32 to index
      %swap3A_313 = tpu.vector_load %arg7[%swap3A_311, %swap3A_312] {strides = array<i32>} : memref<2x2048xf32, #tpu.memory_space<vmem>>, vector<16xf32>,
      tpu.vector_store %arg7[%swap3A_311, %swap3A_312], %gather3A_309 {strides = array<i32>} : memref<2x2048xf32, #tpu.memory_space<vmem>>, vector<16xf32>,
      %scan3A_314 = arith.constant 0 : i32
      scf.yield %scan3A_314 : i32
    }
    %scan3A_167 = arith.constant 16 : i32
    %dma_start3A_168 = arith.constant 0 : i32
    %dma_start3A_169 = arith.constant 0 : i32
    %dma_start3A_170 = tpu.memref_slice %arg7[%dma_start3A_168, %dma_start3A_169] : memref<2x2048xf32, #tpu.memory_space<vmem>> -> memref<1x2048xf32, #tpu.memory_space<vmem>>
    %dma_start3A_171 = arith.constant 12288 : i32
    %dma_start3A_172 = tpu.memref_slice %arg4[%add3A, %dma_start3A_171] : memref<32x16384xf32, #tpu.memory_space<hbm>> -> memref<1x2048xf32, #tpu.memory_space<hbm>>
    %dma_start3A_173 = arith.constant 12288 : i32
    %dma_start3A_174 = tpu.memref_slice %arg4[%add3A, %dma_start3A_173] : memref<32x16384xf32, #tpu.memory_space<hbm>> -> memref<1x2048xf32, #tpu.memory_space<hbm>>
    %dma_start3A_175 = arith.constant 0 : i32
    %dma_start3A_176 = arith.constant 0 : i32
    %dma_start3A_177 = tpu.memref_slice %arg7[%dma_start3A_175, %dma_start3A_176] : memref<2x2048xf32, #tpu.memory_space<vmem>> -> memref<1x2048xf32, #tpu.memory_space<vmem>>
    tpu.enqueue_dma source(%dma_start3A_177 : memref<1x2048xf32, #tpu.memory_space<vmem>>) target(%dma_start3A_174 : memref<1x2048xf32, #tpu.memory_space<hbm>>) target_semaphore(%arg9 : memref<!tpu.dma_semaphore, #tpu.memory_space<semaphore_mem>>)
    %dma_wait3A_178 = arith.constant 1 : i32
    %dma_wait3A_179 = arith.constant 0 : i32
    %dma_wait3A_180 = tpu.memref_slice %arg7[%dma_wait3A_178, %dma_wait3A_179] : memref<2x2048xf32, #tpu.memory_space<vmem>> -> memref<1x2048xf32, #tpu.memory_space<vmem>>
    %dma_wait3A_181 = arith.constant 10240 : i32
    %dma_wait3A_182 = tpu.memref_slice %arg4[%add3A, %dma_wait3A_181] : memref<32x16384xf32, #tpu.memory_space<hbm>> -> memref<1x2048xf32, #tpu.memory_space<hbm>>
    %dma_wait3A_183 = arith.constant 10240 : i32
    %dma_wait3A_184 = tpu.memref_slice %arg4[%add3A, %dma_wait3A_183] : memref<32x16384xf32, #tpu.memory_space<hbm>> -> memref<1x2048xf32, #tpu.memory_space<hbm>>
    %dma_wait3A_185 = arith.constant 1 : i32
    %dma_wait3A_186 = arith.constant 0 : i32
    %dma_wait3A_187 = tpu.memref_slice %arg7[%dma_wait3A_185, %dma_wait3A_186] : memref<2x2048xf32, #tpu.memory_space<vmem>> -> memref<1x2048xf32, #tpu.memory_space<vmem>>
    tpu.wait_dma2 semaphore(%arg9 : memref<!tpu.dma_semaphore, #tpu.memory_space<semaphore_mem>>) src(%dma_wait3A_187 : memref<1x2048xf32, #tpu.memory_space<vmem>>) dst(%dma_wait3A_184 : memref<1x2048xf32, #tpu.memory_space<hbm>>)
    %scan3A_188 = arith.constant 0 : i32
    %scan3A_189 = arith.constant 0 : i32
    %scan3A_190 = arith.constant 16 : i32
    %scan3A_191 = arith.addi %scan3A_189, %scan3A_190 : i32
    %scan3A_192 = arith.constant 1 : i32
    %scan3A_193 = scf.for %scan3A_225 = %scan3A_189 to %scan3A_191 step %scan3A_192 iter_args(%scan3A_226 = %scan3A_188) -> (i32)  : i32 {
      %mul3A_227 = arith.constant 128 : i32
      %mul3A_228 = arith.muli %scan3A_225, %mul3A_227 : i32
      %add3A_229 = arith.constant 0 : i32
      %add3A_230 = arith.addi %mul3A_228, %add3A_229 : i32
      %add3A_231 = arith.constant 14336 : i32
      %add3A_232 = arith.addi %add3A_231, %add3A_230 : i32
      %get3A = arith.index_cast %add3A_232 : i32 to index
      %get3A_233 = tpu.vector_load %arg6[%get3A] {strides = array<i32>} : memref<16384xi32, #tpu.memory_space<vmem>>, vector<16xi32>,
      %gather3A = tpu.vector_load_idx %arg5[%mul3A_9, %get3A_233] : memref<1x100000xf32, #tpu.memory_space<vmem>>[vector<16xi32>, vector<16xi32>], vector<16xf32>,
      %swap3A = arith.constant 1 : i32
      %swap3A_234 = arith.index_cast %swap3A : i32 to index
      %swap3A_235 = arith.index_cast %add3A_230 : i32 to index
      %swap3A_236 = tpu.vector_load %arg7[%swap3A_234, %swap3A_235] {strides = array<i32>} : memref<2x2048xf32, #tpu.memory_space<vmem>>, vector<16xf32>,
      tpu.vector_store %arg7[%swap3A_234, %swap3A_235], %gather3A {strides = array<i32>} : memref<2x2048xf32, #tpu.memory_space<vmem>>, vector<16xf32>,
      %add3A_237 = arith.constant 16 : i32
      %add3A_238 = arith.addi %mul3A_228, %add3A_237 : i32
      %add3A_239 = arith.constant 14336 : i32
      %add3A_240 = arith.addi %add3A_239, %add3A_238 : i32
      %get3A_241 = arith.index_cast %add3A_240 : i32 to index
      %get3A_242 = tpu.vector_load %arg6[%get3A_241] {strides = array<i32>} : memref<16384xi32, #tpu.memory_space<vmem>>, vector<16xi32>,
      %gather3A_243 = tpu.vector_load_idx %arg5[%mul3A_9, %get3A_242] : memref<1x100000xf32, #tpu.memory_space<vmem>>[vector<16xi32>, vector<16xi32>], vector<16xf32>,
      %swap3A_244 = arith.constant 1 : i32
      %swap3A_245 = arith.index_cast %swap3A_244 : i32 to index
      %swap3A_246 = arith.index_cast %add3A_238 : i32 to index
      %swap3A_247 = tpu.vector_load %arg7[%swap3A_245, %swap3A_246] {strides = array<i32>} : memref<2x2048xf32, #tpu.memory_space<vmem>>, vector<16xf32>,
      tpu.vector_store %arg7[%swap3A_245, %swap3A_246], %gather3A_243 {strides = array<i32>} : memref<2x2048xf32, #tpu.memory_space<vmem>>, vector<16xf32>,
      %add3A_248 = arith.constant 32 : i32
      %add3A_249 = arith.addi %mul3A_228, %add3A_248 : i32
      %add3A_250 = arith.constant 14336 : i32
      %add3A_251 = arith.addi %add3A_250, %add3A_249 : i32
      %get3A_252 = arith.index_cast %add3A_251 : i32 to index
      %get3A_253 = tpu.vector_load %arg6[%get3A_252] {strides = array<i32>} : memref<16384xi32, #tpu.memory_space<vmem>>, vector<16xi32>,
      %gather3A_254 = tpu.vector_load_idx %arg5[%mul3A_9, %get3A_253] : memref<1x100000xf32, #tpu.memory_space<vmem>>[vector<16xi32>, vector<16xi32>], vector<16xf32>,
      %swap3A_255 = arith.constant 1 : i32
      %swap3A_256 = arith.index_cast %swap3A_255 : i32 to index
      %swap3A_257 = arith.index_cast %add3A_249 : i32 to index
      %swap3A_258 = tpu.vector_load %arg7[%swap3A_256, %swap3A_257] {strides = array<i32>} : memref<2x2048xf32, #tpu.memory_space<vmem>>, vector<16xf32>,
      tpu.vector_store %arg7[%swap3A_256, %swap3A_257], %gather3A_254 {strides = array<i32>} : memref<2x2048xf32, #tpu.memory_space<vmem>>, vector<16xf32>,
      %add3A_259 = arith.constant 48 : i32
      %add3A_260 = arith.addi %mul3A_228, %add3A_259 : i32
      %add3A_261 = arith.constant 14336 : i32
      %add3A_262 = arith.addi %add3A_261, %add3A_260 : i32
      %get3A_263 = arith.index_cast %add3A_262 : i32 to index
      %get3A_264 = tpu.vector_load %arg6[%get3A_263] {strides = array<i32>} : memref<16384xi32, #tpu.memory_space<vmem>>, vector<16xi32>,
      %gather3A_265 = tpu.vector_load_idx %arg5[%mul3A_9, %get3A_264] : memref<1x100000xf32, #tpu.memory_space<vmem>>[vector<16xi32>, vector<16xi32>], vector<16xf32>,
      %swap3A_266 = arith.constant 1 : i32
      %swap3A_267 = arith.index_cast %swap3A_266 : i32 to index
      %swap3A_268 = arith.index_cast %add3A_260 : i32 to index
      %swap3A_269 = tpu.vector_load %arg7[%swap3A_267, %swap3A_268] {strides = array<i32>} : memref<2x2048xf32, #tpu.memory_space<vmem>>, vector<16xf32>,
      tpu.vector_store %arg7[%swap3A_267, %swap3A_268], %gather3A_265 {strides = array<i32>} : memref<2x2048xf32, #tpu.memory_space<vmem>>, vector<16xf32>,
      %add3A_270 = arith.constant 64 : i32
      %add3A_271 = arith.addi %mul3A_228, %add3A_270 : i32
      %add3A_272 = arith.constant 14336 : i32
      %add3A_273 = arith.addi %add3A_272, %add3A_271 : i32
      %get3A_274 = arith.index_cast %add3A_273 : i32 to index
      %get3A_275 = tpu.vector_load %arg6[%get3A_274] {strides = array<i32>} : memref<16384xi32, #tpu.memory_space<vmem>>, vector<16xi32>,
      %gather3A_276 = tpu.vector_load_idx %arg5[%mul3A_9, %get3A_275] : memref<1x100000xf32, #tpu.memory_space<vmem>>[vector<16xi32>, vector<16xi32>], vector<16xf32>,
      %swap3A_277 = arith.constant 1 : i32
      %swap3A_278 = arith.index_cast %swap3A_277 : i32 to index
      %swap3A_279 = arith.index_cast %add3A_271 : i32 to index
      %swap3A_280 = tpu.vector_load %arg7[%swap3A_278, %swap3A_279] {strides = array<i32>} : memref<2x2048xf32, #tpu.memory_space<vmem>>, vector<16xf32>,
      tpu.vector_store %arg7[%swap3A_278, %swap3A_279], %gather3A_276 {strides = array<i32>} : memref<2x2048xf32, #tpu.memory_space<vmem>>, vector<16xf32>,
      %add3A_281 = arith.constant 80 : i32
      %add3A_282 = arith.addi %mul3A_228, %add3A_281 : i32
      %add3A_283 = arith.constant 14336 : i32
      %add3A_284 = arith.addi %add3A_283, %add3A_282 : i32
      %get3A_285 = arith.index_cast %add3A_284 : i32 to index
      %get3A_286 = tpu.vector_load %arg6[%get3A_285] {strides = array<i32>} : memref<16384xi32, #tpu.memory_space<vmem>>, vector<16xi32>,
      %gather3A_287 = tpu.vector_load_idx %arg5[%mul3A_9, %get3A_286] : memref<1x100000xf32, #tpu.memory_space<vmem>>[vector<16xi32>, vector<16xi32>], vector<16xf32>,
      %swap3A_288 = arith.constant 1 : i32
      %swap3A_289 = arith.index_cast %swap3A_288 : i32 to index
      %swap3A_290 = arith.index_cast %add3A_282 : i32 to index
      %swap3A_291 = tpu.vector_load %arg7[%swap3A_289, %swap3A_290] {strides = array<i32>} : memref<2x2048xf32, #tpu.memory_space<vmem>>, vector<16xf32>,
      tpu.vector_store %arg7[%swap3A_289, %swap3A_290], %gather3A_287 {strides = array<i32>} : memref<2x2048xf32, #tpu.memory_space<vmem>>, vector<16xf32>,
      %add3A_292 = arith.constant 96 : i32
      %add3A_293 = arith.addi %mul3A_228, %add3A_292 : i32
      %add3A_294 = arith.constant 14336 : i32
      %add3A_295 = arith.addi %add3A_294, %add3A_293 : i32
      %get3A_296 = arith.index_cast %add3A_295 : i32 to index
      %get3A_297 = tpu.vector_load %arg6[%get3A_296] {strides = array<i32>} : memref<16384xi32, #tpu.memory_space<vmem>>, vector<16xi32>,
      %gather3A_298 = tpu.vector_load_idx %arg5[%mul3A_9, %get3A_297] : memref<1x100000xf32, #tpu.memory_space<vmem>>[vector<16xi32>, vector<16xi32>], vector<16xf32>,
      %swap3A_299 = arith.constant 1 : i32
      %swap3A_300 = arith.index_cast %swap3A_299 : i32 to index
      %swap3A_301 = arith.index_cast %add3A_293 : i32 to index
      %swap3A_302 = tpu.vector_load %arg7[%swap3A_300, %swap3A_301] {strides = array<i32>} : memref<2x2048xf32, #tpu.memory_space<vmem>>, vector<16xf32>,
      tpu.vector_store %arg7[%swap3A_300, %swap3A_301], %gather3A_298 {strides = array<i32>} : memref<2x2048xf32, #tpu.memory_space<vmem>>, vector<16xf32>,
      %add3A_303 = arith.constant 112 : i32
      %add3A_304 = arith.addi %mul3A_228, %add3A_303 : i32
      %add3A_305 = arith.constant 14336 : i32
      %add3A_306 = arith.addi %add3A_305, %add3A_304 : i32
      %get3A_307 = arith.index_cast %add3A_306 : i32 to index
      %get3A_308 = tpu.vector_load %arg6[%get3A_307] {strides = array<i32>} : memref<16384xi32, #tpu.memory_space<vmem>>, vector<16xi32>,
      %gather3A_309 = tpu.vector_load_idx %arg5[%mul3A_9, %get3A_308] : memref<1x100000xf32, #tpu.memory_space<vmem>>[vector<16xi32>, vector<16xi32>], vector<16xf32>,
      %swap3A_310 = arith.constant 1 : i32
      %swap3A_311 = arith.index_cast %swap3A_310 : i32 to index
      %swap3A_312 = arith.index_cast %add3A_304 : i32 to index
      %swap3A_313 = tpu.vector_load %arg7[%swap3A_311, %swap3A_312] {strides = array<i32>} : memref<2x2048xf32, #tpu.memory_space<vmem>>, vector<16xf32>,
      tpu.vector_store %arg7[%swap3A_311, %swap3A_312], %gather3A_309 {strides = array<i32>} : memref<2x2048xf32, #tpu.memory_space<vmem>>, vector<16xf32>,
      %scan3A_314 = arith.constant 0 : i32
      scf.yield %scan3A_314 : i32
    }
    %scan3A_194 = arith.constant 16 : i32
    %dma_start3A_195 = arith.constant 1 : i32
    %dma_start3A_196 = arith.constant 0 : i32
    %dma_start3A_197 = tpu.memref_slice %arg7[%dma_start3A_195, %dma_start3A_196] : memref<2x2048xf32, #tpu.memory_space<vmem>> -> memref<1x2048xf32, #tpu.memory_space<vmem>>
    %dma_start3A_198 = arith.constant 14336 : i32
    %dma_start3A_199 = tpu.memref_slice %arg4[%add3A, %dma_start3A_198] : memref<32x16384xf32, #tpu.memory_space<hbm>> -> memref<1x2048xf32, #tpu.memory_space<hbm>>
    %dma_start3A_200 = arith.constant 14336 : i32
    %dma_start3A_201 = tpu.memref_slice %arg4[%add3A, %dma_start3A_200] : memref<32x16384xf32, #tpu.memory_space<hbm>> -> memref<1x2048xf32, #tpu.memory_space<hbm>>
    %dma_start3A_202 = arith.constant 1 : i32
    %dma_start3A_203 = arith.constant 0 : i32
    %dma_start3A_204 = tpu.memref_slice %arg7[%dma_start3A_202, %dma_start3A_203] : memref<2x2048xf32, #tpu.memory_space<vmem>> -> memref<1x2048xf32, #tpu.memory_space<vmem>>
    tpu.enqueue_dma source(%dma_start3A_204 : memref<1x2048xf32, #tpu.memory_space<vmem>>) target(%dma_start3A_201 : memref<1x2048xf32, #tpu.memory_space<hbm>>) target_semaphore(%arg9 : memref<!tpu.dma_semaphore, #tpu.memory_space<semaphore_mem>>)
    %dma_wait3A_205 = arith.constant 0 : i32
    %dma_wait3A_206 = arith.constant 0 : i32
    %dma_wait3A_207 = tpu.memref_slice %arg7[%dma_wait3A_205, %dma_wait3A_206] : memref<2x2048xf32, #tpu.memory_space<vmem>> -> memref<1x2048xf32, #tpu.memory_space<vmem>>
    %dma_wait3A_208 = arith.constant 12288 : i32
    %dma_wait3A_209 = tpu.memref_slice %arg4[%add3A, %dma_wait3A_208] : memref<32x16384xf32, #tpu.memory_space<hbm>> -> memref<1x2048xf32, #tpu.memory_space<hbm>>
    %dma_wait3A_210 = arith.constant 12288 : i32
    %dma_wait3A_211 = tpu.memref_slice %arg4[%add3A, %dma_wait3A_210] : memref<32x16384xf32, #tpu.memory_space<hbm>> -> memref<1x2048xf32, #tpu.memory_space<hbm>>
    %dma_wait3A_212 = arith.constant 0 : i32
    %dma_wait3A_213 = arith.constant 0 : i32
    %dma_wait3A_214 = tpu.memref_slice %arg7[%dma_wait3A_212, %dma_wait3A_213] : memref<2x2048xf32, #tpu.memory_space<vmem>> -> memref<1x2048xf32, #tpu.memory_space<vmem>>
    tpu.wait_dma2 semaphore(%arg9 : memref<!tpu.dma_semaphore, #tpu.memory_space<semaphore_mem>>) src(%dma_wait3A_214 : memref<1x2048xf32, #tpu.memory_space<vmem>>) dst(%dma_wait3A_211 : memref<1x2048xf32, #tpu.memory_space<hbm>>)
    %dma_wait3A_215 = arith.constant 1 : i32
    %dma_wait3A_216 = arith.constant 0 : i32
    %dma_wait3A_217 = tpu.memref_slice %arg7[%dma_wait3A_215, %dma_wait3A_216] : memref<2x2048xf32, #tpu.memory_space<vmem>> -> memref<1x2048xf32, #tpu.memory_space<vmem>>
    %dma_wait3A_218 = arith.constant 14336 : i32
    %dma_wait3A_219 = tpu.memref_slice %arg4[%add3A, %dma_wait3A_218] : memref<32x16384xf32, #tpu.memory_space<hbm>> -> memref<1x2048xf32, #tpu.memory_space<hbm>>
    %dma_wait3A_220 = arith.constant 14336 : i32
    %dma_wait3A_221 = tpu.memref_slice %arg4[%add3A, %dma_wait3A_220] : memref<32x16384xf32, #tpu.memory_space<hbm>> -> memref<1x2048xf32, #tpu.memory_space<hbm>>
    %dma_wait3A_222 = arith.constant 1 : i32
    %dma_wait3A_223 = arith.constant 0 : i32
    %dma_wait3A_224 = tpu.memref_slice %arg7[%dma_wait3A_222, %dma_wait3A_223] : memref<2x2048xf32, #tpu.memory_space<vmem>> -> memref<1x2048xf32, #tpu.memory_space<vmem>>
    tpu.wait_dma2 semaphore(%arg9 : memref<!tpu.dma_semaphore, #tpu.memory_space<semaphore_mem>>) src(%dma_wait3A_224 : memref<1x2048xf32, #tpu.memory_space<vmem>>) dst(%dma_wait3A_221 : memref<1x2048xf32, #tpu.memory_space<hbm>>)
    return
  }
}

module attributes {stable_mosaic.version = 14 : i64} {
  func.func @_fuse_body(%arg0: i32, %arg1: memref<33x2048xf32, #tpu.memory_space<vmem>>, %arg2: memref<32x2048xf32, #tpu.memory_space<vmem>>, %arg3: memref<32x32xf32, #tpu.memory_space<vmem>>, %arg4: memref<32x1xf32, #tpu.memory_space<vmem>>, %arg5: memref<64x2048xf32, #tpu.memory_space<vmem>>) attributes {dimension_semantics = [#tpu.dimension_semantics<arbitrary>], iteration_bounds = array<i64: 8>, scalar_prefetch = 0 : i64, scratch_operands = 0 : i64, tpu.core_type = #tpu.core_type<tc>, window_params = [{transform_indices = @transform_0, window_bounds = array<i64: 33, 2048>}, {transform_indices = @transform_1, window_bounds = array<i64: 32, 2048>}, {pipeline_mode = #tpu.pipeline_mode<synchronous>, transform_indices = @transform_2, window_bounds = array<i64: 32, 32>}, {pipeline_mode = #tpu.pipeline_mode<synchronous>, transform_indices = @transform_3, window_bounds = array<i64: 32, 1>}, {transform_indices = @transform_4, window_bounds = array<i64: 64, 2048>}]} {
    %get3A = arith.constant 1 : index
    %get3A_0 = arith.constant 0 : index
    %get3A_1 = vector.load %arg1[%get3A, %get3A_0] : memref<33x2048xf32, #tpu.memory_space<vmem>>, vector<32x2048xf32>
    %get3A_2 = arith.constant 0 : index
    %get3A_3 = arith.constant 0 : index
    %get3A_4 = vector.load %arg3[%get3A_2, %get3A_3] : memref<32x32xf32, #tpu.memory_space<vmem>>, vector<32x32xf32>
    %dot_general3A = arith.constant dense<0.000000e+00> : vector<32x2048xf32>
    %dot_general3A_5 = tpu.matmul %get3A_4, %get3A_1, %dot_general3A {dimension_numbers = #tpu.dot_dimension_numbers<[1], [0], [0], [1], [0, 0, 1, 1], [], []>, transpose_lhs_hint = false} : vector<32x32xf32>, vector<32x2048xf32>, vector<32x2048xf32> -> vector<32x2048xf32>
    %get3A_6 = arith.constant 0 : index
    %get3A_7 = arith.constant 0 : index
    %get3A_8 = vector.load %arg4[%get3A_6, %get3A_7] : memref<32x1xf32, #tpu.memory_space<vmem>>, vector<32x1xf32>
    %add3A = vector.broadcast %get3A_8 : vector<32x1xf32> to vector<32x2048xf32>
    %add3A_9 = arith.addf %dot_general3A_5, %add3A : vector<32x2048xf32>
    %max3A = arith.constant 0.000000e+00 : f32
    %max3A_10 = vector.broadcast %max3A : f32 to vector<32x2048xf32>
    %max3A_11 = arith.maximumf %add3A_9, %max3A_10 : vector<32x2048xf32>
    %get3A_12 = arith.constant 0 : index
    %get3A_13 = arith.constant 0 : index
    %get3A_14 = vector.load %arg2[%get3A_12, %get3A_13] : memref<32x2048xf32, #tpu.memory_space<vmem>>, vector<32x2048xf32>
    %concatenate3A = tpu.concatenate %get3A_14, %max3A_11 in 0 : vector<32x2048xf32>, vector<32x2048xf32> -> vector<64x2048xf32>
    %swap3A = arith.constant 0 : index
    %swap3A_15 = arith.constant 0 : index
    %swap3A_16 = vector.load %arg5[%swap3A, %swap3A_15] : memref<64x2048xf32, #tpu.memory_space<vmem>>, vector<64x2048xf32>
    tpu.vector_store %arg5[%swap3A, %swap3A_15], %concatenate3A {strides = array<i32>} : memref<64x2048xf32, #tpu.memory_space<vmem>>, vector<64x2048xf32>,
    return
  }
  func.func @transform_0(%arg0: i32) -> (i32, i32) {
    %c0_i32 = arith.constant 0 : i32
    %c0_i32_0 = arith.constant 0 : i32
    return %c0_i32, %arg0 : i32, i32
  }
  func.func @transform_1(%arg0: i32) -> (i32, i32) {
    %c0_i32 = arith.constant 0 : i32
    %c0_i32_0 = arith.constant 0 : i32
    return %c0_i32, %arg0 : i32, i32
  }
  func.func @transform_2(%arg0: i32) -> (i32, i32) {
    %c0_i32 = arith.constant 0 : i32
    %c0_i32_0 = arith.constant 0 : i32
    %c0_i32_1 = arith.constant 0 : i32
    return %c0_i32, %c0_i32_0 : i32, i32
  }
  func.func @transform_3(%arg0: i32) -> (i32, i32) {
    %c0_i32 = arith.constant 0 : i32
    %c0_i32_0 = arith.constant 0 : i32
    %c0_i32_1 = arith.constant 0 : i32
    return %c0_i32, %c0_i32_0 : i32, i32
  }
  func.func @transform_4(%arg0: i32) -> (i32, i32) {
    %c0_i32 = arith.constant 0 : i32
    %c0_i32_0 = arith.constant 0 : i32
    return %c0_i32, %arg0 : i32, i32
  }
}

</mosaic_0001>

<sc_bundles>
// kernel: kernel.4.cloned.1.call-start
scs
__scs_entry_jumppad:
0x0: {  	(pc) =	sbr.rel $0x88, $3  }
0x1: {  	(tag) =	ssettag $0x0;
	lr =	simm.s32 $0x1  }
0x2: {  	[smem:$0x3F9D] =	sst lr;
	_ =	strace $0xD0000000  }
0x3: {  	_ = 	snop  }
0x4: {  	_ = 	snop  }
0x5: {  	_ = 	snop  }
0x6: {  	_ = 	snop  }
0x7: {  	_ = 	snop  }
__scs_overlays_trampoline_lowered:
0x8: {  	[smem:$0x3FAC] =	sst s0  }
0x9: {  	[smem:$0x3FAD] =	sst s1  }
0xa: {  	[smem:$0x3FAE] =	sst s2  }
0xb: {  	[smem:$0x3FAF] =	sst s3  }
0xc: {  	[smem:$0x3FB0] =	sst s4  }
0xd: {  	[smem:$0x3FB1] =	sst s5  }
0xe: {  	[smem:$0x3FB2] =	sst s6  }
0xf: {  	[smem:$0x3FB3] =	sst s7  }
0x10: {  	[smem:$0x3FB4] =	sst s8  }
0x11: {  	[smem:$0x3FB5] =	sst s9;
	s0 =	simm.s32 @!p0 $0x0  }
0x12: {  	s1 =	sld [smem:$0x3F9B];
	s0 =	simm.s32 @p0 $0x1  }
0x13: {  	[smem:$0x3FB6] =	sst s0;
	s0 =	simm.s32 @!p1 $0x0  }
0x14: {  	s2 =	sld [smem:$0x3F9A];
	s0 =	simm.s32 @p1 $0x1  }
0x15: {  	[smem:$0x3FB7] =	sst s0;
	s0 =	simm.s32 @!p2 $0x0  }
0x16: {  	s3 =	sld [smem:$0x3FDB];
	s0 =	simm.s32 @p2 $0x1  }
0x17: {  	s4 =	simm.s32 $0x1BF5;
	[smem:$0x3FB9] =	sst s0  }
0x18: {  	s0 =	sld [smem:$0x3F9C];
	_ =	swait.ge [sflag:s4], $0x0  }
0x19: {  	s7 =	sld [smem:$0x3F9D]  }
0x1a: {  	s8 =	sadd.s32 $0xFFFFE003, lr  }
0x1b: {  	s9 =	sadd.s32 $0xFFFFFEF7, lr;
	s5 =	simm.s32 $0xFFFFFFFF;
	p2 =	slt.u32 s8, $0xFFFFF086  }
0x1c: {  	p1 =	slt.u32 s9, $0xF7A;
	s5 =	simm.s32 @!p2 $0x0  }
0x1d: {  	s5 =	simm.s32 @p1 $0x1;
	p0 =	seq.s32 s7, s2  }
0x1e: {  	s7 =	smul.u32 @!p0 $0xF7A, s2;
	p2 =	seq.s32 @!p0 s5, $0x0  }
0x1f: {  	s9 =	smul.u32 $0xF7A, s1;
	s8 =	simm.s32 @!p0 $0x1BF5;
	p2 =	por !p2, p0  }
0x20: {  	[sflag:s8] =	ssyncset.s32 @!p0 $0xFFFFF086;
	s6 =	sadd.s32 @!p0 s3, s7;
	s7 =	simm.s32 @!p0 $0x108  }
0x21: {  	s3 =	sadd.s32 s3, s9;
	s6 =	sadd.s32 @!p0 $0x88, s6;
	s7 =	simm.s32 @p2 $0x1082  }
0x22: {  	[simem:s7], [sflag:s8] =	dma.local @!p0 [hbm:s6], $0xF7A  }
0x23: {  	s9 =	sor.u32 $0xD0000000, s2;
	s6 =	simm.s32 $0x108;
	_ =	swait.ge @!p0 [sflag:s8], $0x0  }
0x24: {  	s3 =	sadd.s32 $0x88, s3;
	s6 =	simm.s32 @!p1 $0x1082;
	[sflag:s4] =	ssyncset.s32 $0xFFFFF086  }
0x25: {  	[simem:s6], [sflag:s4] =	dma.local [hbm:s3], $0xF7A  }
0x26: {  	[smem:$0x3F9D] =	sst s1;
	(tag) =	ssettag s2;
	_ =	strace s9  }
0x27: {  	s1 =	sld [smem:$0x3FAD]  }
0x28: {  	s2 =	sld [smem:$0x3FAE]  }
0x29: {  	s4 =	sld [smem:$0x3FB0]  }
0x2a: {  	p0 =	seq.s32 s5, $0x0;
	s5 =	sld [smem:$0x3FB1]  }
0x2b: {  	s6 =	sld [smem:$0x3FB2]  }
0x2c: {  	s7 =	sld [smem:$0x3FB3]  }
0x2d: {  	s3 =	simm.s32 $0x108;
	s8 =	sld [smem:$0x3FB4]  }
0x2e: {  	s3 =	simm.s32 @!p0 $0x1082;
	s9 =	sld [smem:$0x3FB5]  }
0x2f: {  	lr =	sadd.s32 s0, s3;
	s0 =	sld [smem:$0x3FAC]  }
0x30: {  	s3 =	sld [smem:$0x3FAF]  }
0x31: {  	[smem:$0x3FB8] =	sst s10  }
0x32: {  	s10 =	sld [smem:$0x3FB6];
	_ =	sdelay $0x3  }
0x33: {  	p0 =	seq.s32 s10, $0x1;
	s10 =	sld [smem:$0x3FB8];
	_ =	sdelay $0x3  }
0x34: {  	[smem:$0x3FB8] =	sst s10  }
0x35: {  	s10 =	sld [smem:$0x3FB7];
	_ =	sdelay $0x3  }
0x36: {  	p1 =	seq.s32 s10, $0x1;
	s10 =	sld [smem:$0x3FB8];
	_ =	sdelay $0x3  }
0x37: {  	[smem:$0x3FB8] =	sst s10  }
0x38: {  	s10 =	sld [smem:$0x3FB9]  }
0x39: {  	_ = 	snop;
	(pc) =	sbr.ind lr, $3  }
0x3a: {  	_ = 	snop  }
0x3b: {  	_ = 	snop  }
0x3c: {  	p2 =	seq.s32 s10, $0x1;
	s10 =	sld [smem:$0x3FB8]  }
0x3d: {  	_ =	shalt  }
0x3e: {  	_ =	shalt  }
0x3f: {  	_ =	shalt  }
0x40: {  	_ =	shalt  }
0x41: {  	_ =	shalt  }
0x42: {  	_ =	shalt  }
0x43: {  	_ =	shalt  }
0x44: {  	_ =	shalt  }
0x45: {  	_ =	shalt  }
0x46: {  	_ =	shalt  }
0x47: {  	_ =	shalt  }
0x48: {  	_ =	shalt  }
0x49: {  	_ =	shalt  }
0x4a: {  	_ =	shalt  }
0x4b: {  	_ =	shalt  }
0x4c: {  	_ =	shalt  }
0x4d: {  	_ =	shalt  }
0x4e: {  	_ =	shalt  }
0x4f: {  	_ =	shalt  }
0x50: {  	_ =	shalt  }
0x51: {  	_ =	shalt  }
0x52: {  	_ =	shalt  }
0x53: {  	_ =	shalt  }
0x54: {  	_ =	shalt  }
0x55: {  	_ =	shalt  }
0x56: {  	_ =	shalt  }
0x57: {  	_ =	shalt  }
0x58: {  	_ =	shalt  }
0x59: {  	_ =	shalt  }
0x5a: {  	_ =	shalt  }
0x5b: {  	_ =	shalt  }
0x5c: {  	_ =	shalt  }
0x5d: {  	_ =	shalt  }
0x5e: {  	_ =	shalt  }
0x5f: {  	_ =	shalt  }
0x60: {  	_ =	shalt  }
0x61: {  	_ =	shalt  }
0x62: {  	_ =	shalt  }
0x63: {  	_ =	shalt  }
0x64: {  	_ =	shalt  }
0x65: {  	_ =	shalt  }
0x66: {  	_ =	shalt  }
0x67: {  	_ =	shalt  }
0x68: {  	_ =	shalt  }
0x69: {  	_ =	shalt  }
0x6a: {  	_ =	shalt  }
0x6b: {  	_ =	shalt  }
0x6c: {  	_ =	shalt  }
0x6d: {  	_ =	shalt  }
0x6e: {  	_ =	shalt  }
0x6f: {  	_ =	shalt  }
0x70: {  	_ =	shalt  }
0x71: {  	_ =	shalt  }
0x72: {  	_ =	shalt  }
0x73: {  	_ =	shalt  }
0x74: {  	_ =	shalt  }
0x75: {  	_ =	shalt  }
0x76: {  	_ =	shalt  }
0x77: {  	_ =	shalt  }
0x78: {  	_ =	shalt  }
0x79: {  	_ =	shalt  }
0x7a: {  	_ =	shalt  }
0x7b: {  	_ =	shalt  }
0x7c: {  	_ =	shalt  }
0x7d: {  	_ =	shalt  }
0x7e: {  	_ =	shalt  }
0x7f: {  	_ =	shalt  }
0x80: {  	_ =	shalt  }
0x81: {  	_ =	shalt  }
0x82: {  	_ =	shalt  }
0x83: {  	_ =	shalt  }
0x84: {  	_ =	shalt  }
0x85: {  	_ =	shalt  }
0x86: {  	_ =	shalt  }
0x87: {  	_ =	shalt  }
.Lfunc_end0:
.L_simem_size_0:
called_computation_lowered:
.L_overlay_start_0:
0x88: {  	s2 =	sld [smem:$0x3FD9]  }
0x89: {  	s3 =	sld [smem:$0x3FFE];
	_ =	sdelay $0x1  }
0x8a: {  	s1 =	srdreg.scid  }
0x8b: {  	s0 =	sand.u32 $0x1, s1  }
0x8c: {  	s17 =	sshll.u32 s0, $0xA;
	s2 =	sadd.s32 s3, s2  }
0x8d: {  	s2 =	sadd.s32 s2, s17  }
0x8e: {  	[smem:$0x3FC4] =	sst s2  }
0x8f: {  	_ = 	snop  }
0x90: {  	s2 =	sld [smem:$0x3FC8]  }
0x91: {  	s18 =	sld [smem:$0x3FD0];
	(tm) =	ssettm $0x1  }
0x92: {  	s4 =	sld [smem:$0x3FFB];
	_ =	sdelay $0x3  }
0x93: {  	_ =	strace s4  }
0x94: {  	s4 =	sld [smem:$0x3FFC];
	_ =	sdelay $0x3  }
0x95: {  	_ =	strace s4  }
0x96: {  	s4 =	sld [smem:$0x3FFD];
	_ =	sdelay $0x3  }
0x97: {  	_ =	strace s4  }
0x98: {  	_ =	strace $0x8FFFFFFF  }
0x99: {  	s19 =	sld [smem:$0x3FDB];
	_ =	sdelay $0x1  }
0x9a: {  	s5 =	simm.s32 $_scs_section_size  }
0x9b: {  	s6 =	simm.s32 $_size__tile_overlayer_lowered;
	s7 =	simm.s32 $_tile_overlayer_lowered  }
0x9c: {  	s22 =	simm.s32 $0x1BFF;
	s21 =	sshll.u32 s7, $0x1;
	s4 =	sadd.s32 s5, s19  }
0x9d: {  	s8 =	simm.s32 $0x0;
	s20 =	sshll.u32 s6, $0x1;
	s6 =	sadd.s32 s21, s4  }
0x9e: {  	[timem:s8], [sflag:s22] =	dma.local [hbm:s6], s20  }
0x9f: {  	_ =	swait.ge [sflag:s22], s20  }
0xa0: {  	s5 =	ssub.s32 $0x0, s20;
	[sflag:s22] =	ssyncset.done $0x0  }
0xa1: {  	[sflag:s22] =	ssyncadd.s32 s5;
	_ =	sdelay $0x1  }
0xa2: {  	s23 =	simm.s32 $0x1B8B  }
0xa3: {  	_ =	swait.ge [sflag:s23], $0x1  }
0xa4: {  	[sflag:s23] =	ssyncset.done $0x0  }
0xa5: {  	s25 =	simm.s32 $0x1B8E;
	s24 =	sld [smem:$0x3FFE];
	[sflag:s23] =	ssyncadd.s32 $0xFFFFFFFF  }
0xa6: {  	s26 =	simm.s32 $execute0_lowered;
	[smem:$0x3FD2] =	sst s25  }
0xa7: {  	s6 =	sshll.u32 s26, $0x1;
	_ =	strace $0x80000046;
	[dreg:$0x1] =	wrdreg $0xFFFFFFFF  }
0xa8: {  	s28 =	simm.s32 $_size_execute0_lowered;
	s4 =	sadd.s32 s4, s6;
	[dreg:$0x0] =	wrdreg $0x0  }
0xa9: {  	s6 =	sshll.u32 s28, $0x1;
	[dreg:$0x2] =	wrdreg s4  }
0xaa: {  	[dreg:$0x3] =	wrdreg s6  }
0xab: {  	[dreg:$0x4] =	wrdreg $0xC0  }
0xac: {  	_ =	task [dreg:s8], $0x5FFFF  }
0xad: {  	[dreg:$0x1] =	wrdreg $0xFFFFFFFF  }
0xae: {  	[dreg:$0x0] =	wrdreg $0x60  }
0xaf: {  	[dreg:$0x2] =	wrdreg s2  }
0xb0: {  	[dreg:$0x3] =	wrdreg s24  }
0xb1: {  	[dreg:$0x4] =	wrdreg s18  }
0xb2: {  	[dreg:$0x5] =	wrdreg $0x9  }
0xb3: {  	_ =	task.clear_ibuf [dreg:s8], $0x6FFFF;
	_ =	strace $0x90000046  }
0xb4: {  	s29 =	simm.s32 $0x9;
	_ =	strace $0x80000048  }
0xb5: {  	_ =	swait.ge [sflag:s29], $0x1  }
0xb6: {  	[sflag:s29] =	ssyncadd.s32 $0xFFFFFFFF  }
0xb7: {  	_ =	strace $0x90000048  }
0xb8: {  	_ =	sfence  }
0xb9: {  	s30 =	sld [smem:$0x0];
	_ =	sdelay $0x2  }
0xba: {  	s31 =	sshll.u32 s1, $0xD;
	s1 =	sshrl.u32 s1, $0x2  }
0xbb: {  	s3 =	sand.u32 $0x4000, s31;
	s1 =	sadd.s32 s1, s30  }
0xbc: {  	s0 =	sor.u32 s3, s0;
	s1 =	sshll.u32 s1, $0x11  }
0xbd: {  	s0 =	sor.u32 s1, s0  }
0xbe: {  	s0 =	sadd.s32 $0x8F2B, s0  }
0xbf: {  	[sflag:s0] =	ssyncadd.remote.s32 $0x1  }
0xc0: {  	_ =	sfence.sel $0xFFFF  }
0xc1: {  	[dreg:$0x0] =	wrdreg $0xFFFFFFFF;
	(pc) =	sbr.abs _section_cstart, $3  }
0xc2: {  	[dreg:$0x1] =	wrdreg $0xFFFFFFFF  }
0xc3: {  	_ =	task.clear_ibuf [dreg:s8], $0x2FFFF;
	_ =	strace $0x9FFFFFFF  }
0xc4: {  	(tm) =	ssettm $0x7FFFFFFF  }
0xc5: {  	_ =	shalt  }
tec
execute0_lowered:
.L_overlay_start_1:
0x0: {  	(tag) =	ssettag $0x1  }
0x1: {  	s0 =	rddreg [dreg:$0x0]  }
0x2: {  	s1 =	rddreg [dreg:$0x1]  }
0x3: {  	s3 =	rddreg [dreg:$0x2];
	s2 =	simm.s32 $0x0;
	s4 =	srdreg.scid  }
0x4: {  	s6 =	stileid.u32;
	s13 =	simm.s32 $0x1C880;
	s28 =	simm.s32 $0x1D280  }
0x5: {  	s29 =	simm.s32 $0x1D380;
	s30 =	simm.s32 $0x1D480;
	s31 =	simm.s32 $0x1D580  }
0x6: {  	s14 =	simm.s32 $0x0;
	[smem:$0x7FF] =	sst s2;
	s4 =	sand.u32 $0x1, s4  }
0x7: {  	s5 =	sshll.u32 s6, $0x8;
	s6 =	sshrl.u32 s6, $0x2;
	s1 =	sadd.s32 $0xC00, s1  }
0x8: {  	s7 =	sshll.u32 s4, $0x7;
	s5 =	sand.u32 $0x300, s5;
	s17 =	smul.u32 $0xC3800, s6  }
0x9: {  	s6 =	sshll.u32 s6, $0x11;
	_ =	strace $0x80000047;
	s19 =	ssub.s32 $0x2, s4  }
0xa: {  	[dreg:$0x4] =	wrdreg s1;
	s5 =	sor.u32 s7, s5;
	s21 =	sshrl.u32 s19, $0x1  }
0xb: {  	s18 =	sor.u32 s6, s5;
	s20 =	sor.u32 s17, s5;
	s22 =	ssub.s32 s19, s21  }
0xc: {  	s17 =	simm.s32 $0x1;
	s5 =	simm.s32 $0x1C780;
	s19 =	simm.s32 $0x1C980  }
0xd: {  	s21 =	simm.s32 $0x1CA80;
	s1 =	sshrl.u32 s18, $0x3;
	s7 =	sshrl.u32 s20, $0x3  }
0xe: {  	s23 =	smax.u32 s22, $0x1;
	s18 =	simm.s32 $0x1CC80;
	s20 =	simm.s32 $0x1CD80  }
0xf: {  	s22 =	simm.s32 $0x1CE80;
	s4 =	sadd.s32 s3, s1;
	s0 =	sadd.s32 s0, s7  }
0x10: {  	[dreg:$0x6] =	wrdreg s23;
	s23 =	simm.s32 $0x1CB80;
	s1 =	simm.s32 $0x2  }
0x11: {  	[dreg:$0x5] =	wrdreg s0;
	s6 =	sadd.s32 $0x800, s4;
	s7 =	sadd.s32 $0x1000, s4  }
0x12: {  	s8 =	sadd.s32 $0x1800, s4;
	s9 =	sadd.s32 $0x2000, s4;
	s24 =	sadd.s32 $0x80, s4  }
0x13: {  	s10 =	sadd.s32 $0x2800, s4;
	s25 =	sadd.s32 $0x100, s4;
	[dreg:$0x7] =	wrdreg s24  }
0x14: {  	s11 =	sadd.s32 $0x3000, s4;
	s26 =	sadd.s32 $0x180, s4;
	[dreg:$0x8] =	wrdreg s25  }
0x15: {  	s12 =	sadd.s32 $0x3800, s4;
	s0 =	simm.s32 $0x1D680;
	[dreg:$0x9] =	wrdreg s26  }
0x16: {  	s24 =	simm.s32 $0x1CF80;
	s25 =	simm.s32 $0x1D080;
	s26 =	simm.s32 $0x1D180  }
.LBB2_1:
0x17: {  	s3 =	rddreg [dreg:$0x5];
	s15 =	simm.s32 $0x80;
	s16 =	simm.s32 $0x400  }
0x18: {  	[tilespmem:s2], [sflag:$0x1] =	stream.strided.gather [hbm4b:s3+s15], $0x18700, s16, s15, $0x38;
	[tilespmem:$0x1D700] =	vst v63  }
0x19: {  	s15 =	rddreg [dreg:$0x4];
	s16 =	simm.s32 $0x18700  }
0x1a: {  	[tilespmem:s16], [sflag:$0x1] =	stream.linear.gather [hbm4b:s15+s2], $0x4000, $0x38;
	[tilespmem:$0x1D700] =	vst v63  }
0x1b: {  	_ =	swait.ge [sflag:s17], $0x18700  }
0x1c: {  	[sflag:s17] =	ssyncset.done $0x0  }
0x1d: {  	[sflag:s17] =	ssyncadd.s32 $0xFFFE7900  }
0x1e: {  	_ =	swait.ge [sflag:s17], $0x4000  }
0x1f: {  	[sflag:s17] =	ssyncset.done $0x0  }
0x20: {  	s15 =	simm.s32 $0x18740;
	s16 =	simm.s32 $0x0;
	[sflag:s17] =	ssyncadd.s32 $0xFFFFC000  }
.LBB2_2:
0x21: {  	v0 =	vld [tilespmem:s15+$0xFFFFFFC0];
	_ =	sdelay $0x7  }
0x22: {  	v0 =	vld.idx.msk [tilespmem:v0+s2+$0x0], $0xffff;
	_ =	sdelay $0x3  }
0x23: {  	s3 =	sshra.s32 s16, $0x2  }
0x24: {  	[tilespmem:s3+$0x1C700] =	vst v0  }
0x25: {  	v0 =	vld [tilespmem:s15+$0xFFFFFFD0];
	_ =	sdelay $0x7  }
0x26: {  	v0 =	vld.idx.msk [tilespmem:v0+s2+$0x0], $0xffff;
	_ =	sdelay $0x4  }
0x27: {  	[tilespmem:s3+$0x1C710] =	vst v0  }
0x28: {  	v0 =	vld [tilespmem:s15+$0xFFFFFFE0];
	_ =	sdelay $0x7  }
0x29: {  	v0 =	vld.idx.msk [tilespmem:v0+s2+$0x0], $0xffff;
	_ =	sdelay $0x4  }
0x2a: {  	[tilespmem:s3+$0x1C720] =	vst v0  }
0x2b: {  	v0 =	vld [tilespmem:s15+$0xFFFFFFF0];
	_ =	sdelay $0x7  }
0x2c: {  	v0 =	vld.idx.msk [tilespmem:v0+s2+$0x0], $0xffff;
	_ =	sdelay $0x4  }
0x2d: {  	[tilespmem:s3+$0x1C730] =	vst v0  }
0x2e: {  	v0 =	vld [tilespmem:s15+$0x0];
	_ =	sdelay $0x7  }
0x2f: {  	v0 =	vld.idx.msk [tilespmem:v0+s2+$0x0], $0xffff;
	_ =	sdelay $0x4  }
0x30: {  	[tilespmem:s3+$0x1C740] =	vst v0  }
0x31: {  	v0 =	vld [tilespmem:s15+$0x10];
	_ =	sdelay $0x7  }
0x32: {  	v0 =	vld.idx.msk [tilespmem:v0+s2+$0x0], $0xffff;
	_ =	sdelay $0x4  }
0x33: {  	[tilespmem:s3+$0x1C750] =	vst v0  }
0x34: {  	v0 =	vld [tilespmem:s15+$0x20];
	_ =	sdelay $0x7  }
0x35: {  	v0 =	vld.idx.msk [tilespmem:v0+s2+$0x0], $0xffff;
	_ =	sdelay $0x4  }
0x36: {  	[tilespmem:s3+$0x1C760] =	vst v0  }
0x37: {  	v0 =	vld [tilespmem:s15+$0x30];
	_ =	sdelay $0x7  }
0x38: {  	p0 =	sne.s32 s16, $0x3C00;
	v0 =	vld.idx.msk [tilespmem:v0+s2+$0x0], $0xffff  }
.Ltmp0:
0x39: {  	_ = 	snop;
	(pc) =	sbr.rel @p0 .LBB2_2-.Ltmp0, $2  }
0x3a: {  	_ =	sdelay $0x2  }
0x3b: {  	s16 =	sadd.s32 $0x400, s16;
	s15 =	sadd.s32 $0x80, s15;
	[tilespmem:s3+$0x1C770] =	vst v0  }
0x3c: {  	s15 =	simm.s32 $0x0;
	s3 =	simm.s32 $0x1C700  }
0x3d: {  	[hbm4b:s4+s15] =	stream.linear.scatter [tilespmem:s3], [sflag:$0x2], $0x80, $0x38;
	[tilespmem:$0x1D700] =	vst v63  }
0x3e: {  	s16 =	simm.s32 $0x1C800;
	s3 =	rddreg [dreg:$0x7]  }
0x3f: {  	[hbm4b:s3+s15] =	stream.linear.scatter [tilespmem:s16], [sflag:$0x2], $0x80, $0x38;
	[tilespmem:$0x1D700] =	vst v63  }
0x40: {  	s3 =	rddreg [dreg:$0x8];
	s16 =	simm.s32 $0x1C900  }
0x41: {  	[hbm4b:s3+s15] =	stream.linear.scatter [tilespmem:s16], [sflag:$0x2], $0x80, $0x38;
	[tilespmem:$0x1D700] =	vst v63  }
0x42: {  	s3 =	rddreg [dreg:$0x9];
	s16 =	simm.s32 $0x1CA00  }
0x43: {  	[hbm4b:s3+s15] =	stream.linear.scatter [tilespmem:s16], [sflag:$0x2], $0x80, $0x38;
	[tilespmem:$0x1D700] =	vst v63  }
0x44: {  	s3 =	sadd.s32 $0x200, s4;
	s16 =	simm.s32 $0x1CB00  }
0x45: {  	[hbm4b:s3+s15] =	stream.linear.scatter [tilespmem:s16], [sflag:$0x2], $0x80, $0x38;
	[tilespmem:$0x1D700] =	vst v63  }
0x46: {  	s3 =	sadd.s32 $0x280, s4;
	s16 =	simm.s32 $0x1CC00  }
0x47: {  	[hbm4b:s3+s15] =	stream.linear.scatter [tilespmem:s16], [sflag:$0x2], $0x80, $0x38;
	[tilespmem:$0x1D700] =	vst v63  }
0x48: {  	s3 =	sadd.s32 $0x300, s4;
	s16 =	simm.s32 $0x1CD00  }
0x49: {  	[hbm4b:s3+s15] =	stream.linear.scatter [tilespmem:s16], [sflag:$0x2], $0x80, $0x38;
	[tilespmem:$0x1D700] =	vst v63  }
0x4a: {  	s3 =	sadd.s32 $0x380, s4;
	s16 =	simm.s32 $0x1CE00  }
0x4b: {  	[hbm4b:s3+s15] =	stream.linear.scatter [tilespmem:s16], [sflag:$0x2], $0x80, $0x38;
	[tilespmem:$0x1D700] =	vst v63  }
0x4c: {  	s3 =	sadd.s32 $0x400, s4;
	s16 =	simm.s32 $0x1CF00  }
0x4d: {  	[hbm4b:s3+s15] =	stream.linear.scatter [tilespmem:s16], [sflag:$0x2], $0x80, $0x38;
	[tilespmem:$0x1D700] =	vst v63  }
0x4e: {  	s3 =	sadd.s32 $0x480, s4;
	s16 =	simm.s32 $0x1D000  }
0x4f: {  	[hbm4b:s3+s15] =	stream.linear.scatter [tilespmem:s16], [sflag:$0x2], $0x80, $0x38;
	[tilespmem:$0x1D700] =	vst v63  }
0x50: {  	s3 =	sadd.s32 $0x500, s4;
	s16 =	simm.s32 $0x1D100  }
0x51: {  	[hbm4b:s3+s15] =	stream.linear.scatter [tilespmem:s16], [sflag:$0x2], $0x80, $0x38;
	[tilespmem:$0x1D700] =	vst v63  }
0x52: {  	s3 =	sadd.s32 $0x580, s4;
	s16 =	simm.s32 $0x1D200  }
0x53: {  	[hbm4b:s3+s15] =	stream.linear.scatter [tilespmem:s16], [sflag:$0x2], $0x80, $0x38;
	[tilespmem:$0x1D700] =	vst v63  }
0x54: {  	s3 =	sadd.s32 $0x600, s4;
	s16 =	simm.s32 $0x1D300  }
0x55: {  	[hbm4b:s3+s15] =	stream.linear.scatter [tilespmem:s16], [sflag:$0x2], $0x80, $0x38;
	[tilespmem:$0x1D700] =	vst v63  }
0x56: {  	s3 =	sadd.s32 $0x680, s4;
	s16 =	simm.s32 $0x1D400  }
0x57: {  	[hbm4b:s3+s15] =	stream.linear.scatter [tilespmem:s16], [sflag:$0x2], $0x80, $0x38;
	[tilespmem:$0x1D700] =	vst v63  }
0x58: {  	s3 =	sadd.s32 $0x700, s4;
	s16 =	simm.s32 $0x1D500  }
0x59: {  	[hbm4b:s3+s15] =	stream.linear.scatter [tilespmem:s16], [sflag:$0x2], $0x80, $0x38;
	[tilespmem:$0x1D700] =	vst v63  }
0x5a: {  	s3 =	sadd.s32 $0x780, s4;
	s16 =	simm.s32 $0x1D600  }
0x5b: {  	[hbm4b:s3+s15] =	stream.linear.scatter [tilespmem:s16], [sflag:$0x2], $0x80, $0x38;
	[tilespmem:$0x1D700] =	vst v63  }
0x5c: {  	s16 =	simm.s32 $0x1C7F0  }
.LBB2_4:
0x5d: {  	s3 =	sshra.s32 s15, $0x2  }
0x5e: {  	v0 =	vld [tilespmem:s3+$0x18F00];
	_ =	sdelay $0x7  }
0x5f: {  	v0 =	vld.idx.msk [tilespmem:v0+s2+$0x0], $0xffff;
	_ =	sdelay $0x4  }
0x60: {  	[tilespmem:s16+$0xFFFFFF90] =	vst v0  }
0x61: {  	v0 =	vld [tilespmem:s3+$0x18F10];
	_ =	sdelay $0x7  }
0x62: {  	v0 =	vld.idx.msk [tilespmem:v0+s2+$0x0], $0xffff;
	_ =	sdelay $0x4  }
0x63: {  	[tilespmem:s16+$0xFFFFFFA0] =	vst v0  }
0x64: {  	v0 =	vld [tilespmem:s3+$0x18F20];
	_ =	sdelay $0x7  }
0x65: {  	v0 =	vld.idx.msk [tilespmem:v0+s2+$0x0], $0xffff;
	_ =	sdelay $0x4  }
0x66: {  	[tilespmem:s16+$0xFFFFFFB0] =	vst v0  }
0x67: {  	v0 =	vld [tilespmem:s3+$0x18F30];
	_ =	sdelay $0x7  }
0x68: {  	v0 =	vld.idx.msk [tilespmem:v0+s2+$0x0], $0xffff;
	_ =	sdelay $0x4  }
0x69: {  	[tilespmem:s16+$0xFFFFFFC0] =	vst v0  }
0x6a: {  	v0 =	vld [tilespmem:s3+$0x18F40];
	_ =	sdelay $0x7  }
0x6b: {  	v0 =	vld.idx.msk [tilespmem:v0+s2+$0x0], $0xffff;
	_ =	sdelay $0x4  }
0x6c: {  	[tilespmem:s16+$0xFFFFFFD0] =	vst v0  }
0x6d: {  	v0 =	vld [tilespmem:s3+$0x18F50];
	_ =	sdelay $0x7  }
0x6e: {  	v0 =	vld.idx.msk [tilespmem:v0+s2+$0x0], $0xffff;
	_ =	sdelay $0x4  }
0x6f: {  	[tilespmem:s16+$0xFFFFFFE0] =	vst v0  }
0x70: {  	v0 =	vld [tilespmem:s3+$0x18F60];
	_ =	sdelay $0x7  }
0x71: {  	v0 =	vld.idx.msk [tilespmem:v0+s2+$0x0], $0xffff;
	_ =	sdelay $0x4  }
0x72: {  	[tilespmem:s16+$0xFFFFFFF0] =	vst v0  }
0x73: {  	v0 =	vld [tilespmem:s3+$0x18F70];
	_ =	sdelay $0x7  }
0x74: {  	p0 =	sne.s32 s15, $0x1E00;
	v0 =	vld.idx.msk [tilespmem:v0+s2+$0x0], $0xffff  }
.Ltmp1:
0x75: {  	_ = 	snop;
	(pc) =	sbr.rel @p0 .LBB2_4-.Ltmp1, $2  }
0x76: {  	_ =	sdelay $0x2  }
0x77: {  	s15 =	sadd.s32 $0x200, s15;
	[tilespmem:s16+$0x0] =	vst v0;
	s16 =	sadd.s32 $0x100, s16  }
0x78: {  	s15 =	simm.s32 $0x0  }
0x79: {  	[hbm4b:s6+s15] =	stream.linear.scatter [tilespmem:s5], [sflag:$0x2], $0x80, $0x38;
	[tilespmem:$0x1D700] =	vst v63  }
0x7a: {  	s3 =	sadd.s32 $0x80, s6  }
0x7b: {  	[hbm4b:s3+s15] =	stream.linear.scatter [tilespmem:s13], [sflag:$0x2], $0x80, $0x38;
	[tilespmem:$0x1D700] =	vst v63  }
0x7c: {  	s16 =	sadd.s32 $0x100, s6  }
0x7d: {  	[hbm4b:s16+s15] =	stream.linear.scatter [tilespmem:s19], [sflag:$0x2], $0x80, $0x38;
	[tilespmem:$0x1D700] =	vst v63  }
0x7e: {  	s16 =	sadd.s32 $0x180, s6  }
0x7f: {  	[hbm4b:s16+s15] =	stream.linear.scatter [tilespmem:s21], [sflag:$0x2], $0x80, $0x38;
	[tilespmem:$0x1D700] =	vst v63  }
0x80: {  	s16 =	sadd.s32 $0x200, s6  }
0x81: {  	[hbm4b:s16+s15] =	stream.linear.scatter [tilespmem:s23], [sflag:$0x2], $0x80, $0x38;
	[tilespmem:$0x1D700] =	vst v63  }
0x82: {  	s16 =	sadd.s32 $0x280, s6  }
0x83: {  	[hbm4b:s16+s15] =	stream.linear.scatter [tilespmem:s18], [sflag:$0x2], $0x80, $0x38;
	[tilespmem:$0x1D700] =	vst v63  }
0x84: {  	s16 =	sadd.s32 $0x300, s6  }
0x85: {  	[hbm4b:s16+s15] =	stream.linear.scatter [tilespmem:s20], [sflag:$0x2], $0x80, $0x38;
	[tilespmem:$0x1D700] =	vst v63  }
0x86: {  	s16 =	sadd.s32 $0x380, s6  }
0x87: {  	[hbm4b:s16+s15] =	stream.linear.scatter [tilespmem:s22], [sflag:$0x2], $0x80, $0x38;
	[tilespmem:$0x1D700] =	vst v63  }
0x88: {  	s16 =	sadd.s32 $0x400, s6  }
0x89: {  	[hbm4b:s16+s15] =	stream.linear.scatter [tilespmem:s24], [sflag:$0x2], $0x80, $0x38;
	[tilespmem:$0x1D700] =	vst v63  }
0x8a: {  	s16 =	sadd.s32 $0x480, s6  }
0x8b: {  	[hbm4b:s16+s15] =	stream.linear.scatter [tilespmem:s25], [sflag:$0x2], $0x80, $0x38;
	[tilespmem:$0x1D700] =	vst v63  }
0x8c: {  	s16 =	sadd.s32 $0x500, s6  }
0x8d: {  	[hbm4b:s16+s15] =	stream.linear.scatter [tilespmem:s26], [sflag:$0x2], $0x80, $0x38;
	[tilespmem:$0x1D700] =	vst v63  }
0x8e: {  	s16 =	sadd.s32 $0x580, s6  }
0x8f: {  	[hbm4b:s16+s15] =	stream.linear.scatter [tilespmem:s28], [sflag:$0x2], $0x80, $0x38;
	[tilespmem:$0x1D700] =	vst v63  }
0x90: {  	s16 =	sadd.s32 $0x600, s6  }
0x91: {  	[hbm4b:s16+s15] =	stream.linear.scatter [tilespmem:s29], [sflag:$0x2], $0x80, $0x38;
	[tilespmem:$0x1D700] =	vst v63  }
0x92: {  	s16 =	sadd.s32 $0x680, s6  }
0x93: {  	[hbm4b:s16+s15] =	stream.linear.scatter [tilespmem:s30], [sflag:$0x2], $0x80, $0x38;
	[tilespmem:$0x1D700] =	vst v63  }
0x94: {  	s16 =	sadd.s32 $0x700, s6  }
0x95: {  	[hbm4b:s16+s15] =	stream.linear.scatter [tilespmem:s31], [sflag:$0x2], $0x80, $0x38;
	[tilespmem:$0x1D700] =	vst v63  }
0x96: {  	s16 =	sadd.s32 $0x780, s6  }
0x97: {  	[hbm4b:s16+s15] =	stream.linear.scatter [tilespmem:s0], [sflag:$0x2], $0x80, $0x38;
	[tilespmem:$0x1D700] =	vst v63  }
0x98: {  	_ =	swait.ge [sflag:s1], $0x800  }
0x99: {  	[sflag:s1] =	ssyncset.done $0x0  }
0x9a: {  	s16 =	simm.s32 $0x19770;
	[sflag:s1] =	ssyncadd.s32 $0xFFFFF800  }
.LBB2_6:
0x9b: {  	v0 =	vld [tilespmem:s16+$0xFFFFFF90];
	_ =	sdelay $0x7  }
0x9c: {  	v0 =	vld.idx.msk [tilespmem:v0+s2+$0x0], $0xffff;
	_ =	sdelay $0x3  }
0x9d: {  	s3 =	sshra.s32 s15, $0x2  }
0x9e: {  	[tilespmem:s3+$0x1C700] =	vst v0  }
0x9f: {  	v0 =	vld [tilespmem:s16+$0xFFFFFFA0];
	_ =	sdelay $0x7  }
0xa0: {  	v0 =	vld.idx.msk [tilespmem:v0+s2+$0x0], $0xffff;
	_ =	sdelay $0x4  }
0xa1: {  	[tilespmem:s3+$0x1C710] =	vst v0  }
0xa2: {  	v0 =	vld [tilespmem:s16+$0xFFFFFFB0];
	_ =	sdelay $0x7  }
0xa3: {  	v0 =	vld.idx.msk [tilespmem:v0+s2+$0x0], $0xffff;
	_ =	sdelay $0x4  }
0xa4: {  	[tilespmem:s3+$0x1C720] =	vst v0  }
0xa5: {  	v0 =	vld [tilespmem:s16+$0xFFFFFFC0];
	_ =	sdelay $0x7  }
0xa6: {  	v0 =	vld.idx.msk [tilespmem:v0+s2+$0x0], $0xffff;
	_ =	sdelay $0x4  }
0xa7: {  	[tilespmem:s3+$0x1C730] =	vst v0  }
0xa8: {  	v0 =	vld [tilespmem:s16+$0xFFFFFFD0];
	_ =	sdelay $0x7  }
0xa9: {  	v0 =	vld.idx.msk [tilespmem:v0+s2+$0x0], $0xffff;
	_ =	sdelay $0x4  }
0xaa: {  	[tilespmem:s3+$0x1C740] =	vst v0  }
0xab: {  	v0 =	vld [tilespmem:s16+$0xFFFFFFE0];
	_ =	sdelay $0x7  }
0xac: {  	v0 =	vld.idx.msk [tilespmem:v0+s2+$0x0], $0xffff;
	_ =	sdelay $0x4  }
0xad: {  	[tilespmem:s3+$0x1C750] =	vst v0  }
0xae: {  	v0 =	vld [tilespmem:s16+$0xFFFFFFF0];
	_ =	sdelay $0x7  }
0xaf: {  	v0 =	vld.idx.msk [tilespmem:v0+s2+$0x0], $0xffff;
	_ =	sdelay $0x4  }
0xb0: {  	[tilespmem:s3+$0x1C760] =	vst v0  }
0xb1: {  	v0 =	vld [tilespmem:s16+$0x0];
	_ =	sdelay $0x7  }
0xb2: {  	p0 =	sne.s32 s15, $0x3C00;
	v0 =	vld.idx.msk [tilespmem:v0+s2+$0x0], $0xffff  }
.Ltmp2:
0xb3: {  	_ = 	snop;
	(pc) =	sbr.rel @p0 .LBB2_6-.Ltmp2, $2  }
0xb4: {  	_ =	sdelay $0x2  }
0xb5: {  	s15 =	sadd.s32 $0x400, s15;
	s16 =	sadd.s32 $0x80, s16;
	[tilespmem:s3+$0x1C770] =	vst v0  }
0xb6: {  	s15 =	simm.s32 $0x0;
	s3 =	simm.s32 $0x1C700  }
0xb7: {  	[hbm4b:s7+s15] =	stream.linear.scatter [tilespmem:s3], [sflag:$0x2], $0x80, $0x38;
	[tilespmem:$0x1D700] =	vst v63  }
0xb8: {  	s16 =	simm.s32 $0x1C800;
	s3 =	sadd.s32 $0x80, s7  }
0xb9: {  	[hbm4b:s3+s15] =	stream.linear.scatter [tilespmem:s16], [sflag:$0x2], $0x80, $0x38;
	[tilespmem:$0x1D700] =	vst v63  }
0xba: {  	s3 =	sadd.s32 $0x100, s7;
	s16 =	simm.s32 $0x1C900  }
0xbb: {  	[hbm4b:s3+s15] =	stream.linear.scatter [tilespmem:s16], [sflag:$0x2], $0x80, $0x38;
	[tilespmem:$0x1D700] =	vst v63  }
0xbc: {  	s3 =	sadd.s32 $0x180, s7;
	s16 =	simm.s32 $0x1CA00  }
0xbd: {  	[hbm4b:s3+s15] =	stream.linear.scatter [tilespmem:s16], [sflag:$0x2], $0x80, $0x38;
	[tilespmem:$0x1D700] =	vst v63  }
0xbe: {  	s3 =	sadd.s32 $0x200, s7;
	s16 =	simm.s32 $0x1CB00  }
0xbf: {  	[hbm4b:s3+s15] =	stream.linear.scatter [tilespmem:s16], [sflag:$0x2], $0x80, $0x38;
	[tilespmem:$0x1D700] =	vst v63  }
0xc0: {  	s3 =	sadd.s32 $0x280, s7;
	s16 =	simm.s32 $0x1CC00  }
0xc1: {  	[hbm4b:s3+s15] =	stream.linear.scatter [tilespmem:s16], [sflag:$0x2], $0x80, $0x38;
	[tilespmem:$0x1D700] =	vst v63  }
0xc2: {  	s3 =	sadd.s32 $0x300, s7;
	s16 =	simm.s32 $0x1CD00  }
0xc3: {  	[hbm4b:s3+s15] =	stream.linear.scatter [tilespmem:s16], [sflag:$0x2], $0x80, $0x38;
	[tilespmem:$0x1D700] =	vst v63  }
0xc4: {  	s3 =	sadd.s32 $0x380, s7;
	s16 =	simm.s32 $0x1CE00  }
0xc5: {  	[hbm4b:s3+s15] =	stream.linear.scatter [tilespmem:s16], [sflag:$0x2], $0x80, $0x38;
	[tilespmem:$0x1D700] =	vst v63  }
0xc6: {  	s3 =	sadd.s32 $0x400, s7;
	s16 =	simm.s32 $0x1CF00  }
0xc7: {  	[hbm4b:s3+s15] =	stream.linear.scatter [tilespmem:s16], [sflag:$0x2], $0x80, $0x38;
	[tilespmem:$0x1D700] =	vst v63  }
0xc8: {  	s3 =	sadd.s32 $0x480, s7;
	s16 =	simm.s32 $0x1D000  }
0xc9: {  	[hbm4b:s3+s15] =	stream.linear.scatter [tilespmem:s16], [sflag:$0x2], $0x80, $0x38;
	[tilespmem:$0x1D700] =	vst v63  }
0xca: {  	s3 =	sadd.s32 $0x500, s7;
	s16 =	simm.s32 $0x1D100  }
0xcb: {  	[hbm4b:s3+s15] =	stream.linear.scatter [tilespmem:s16], [sflag:$0x2], $0x80, $0x38;
	[tilespmem:$0x1D700] =	vst v63  }
0xcc: {  	s3 =	sadd.s32 $0x580, s7;
	s16 =	simm.s32 $0x1D200  }
0xcd: {  	[hbm4b:s3+s15] =	stream.linear.scatter [tilespmem:s16], [sflag:$0x2], $0x80, $0x38;
	[tilespmem:$0x1D700] =	vst v63  }
0xce: {  	s3 =	sadd.s32 $0x600, s7;
	s16 =	simm.s32 $0x1D300  }
0xcf: {  	[hbm4b:s3+s15] =	stream.linear.scatter [tilespmem:s16], [sflag:$0x2], $0x80, $0x38;
	[tilespmem:$0x1D700] =	vst v63  }
0xd0: {  	s3 =	sadd.s32 $0x680, s7;
	s16 =	simm.s32 $0x1D400  }
0xd1: {  	[hbm4b:s3+s15] =	stream.linear.scatter [tilespmem:s16], [sflag:$0x2], $0x80, $0x38;
	[tilespmem:$0x1D700] =	vst v63  }
0xd2: {  	s3 =	sadd.s32 $0x700, s7;
	s16 =	simm.s32 $0x1D500  }
0xd3: {  	[hbm4b:s3+s15] =	stream.linear.scatter [tilespmem:s16], [sflag:$0x2], $0x80, $0x38;
	[tilespmem:$0x1D700] =	vst v63  }
0xd4: {  	s3 =	sadd.s32 $0x780, s7;
	s16 =	simm.s32 $0x1D600  }
0xd5: {  	[hbm4b:s3+s15] =	stream.linear.scatter [tilespmem:s16], [sflag:$0x2], $0x80, $0x38;
	[tilespmem:$0x1D700] =	vst v63  }
0xd6: {  	_ =	swait.ge [sflag:s1], $0x800  }
0xd7: {  	[sflag:s1] =	ssyncset.done $0x0  }
0xd8: {  	s16 =	simm.s32 $0x1C7F0;
	[sflag:s1] =	ssyncadd.s32 $0xFFFFF800  }
.LBB2_8:
0xd9: {  	s3 =	sshra.s32 s15, $0x2  }
0xda: {  	v0 =	vld [tilespmem:s3+$0x19F00];
	_ =	sdelay $0x7  }
0xdb: {  	v0 =	vld.idx.msk [tilespmem:v0+s2+$0x0], $0xffff;
	_ =	sdelay $0x4  }
0xdc: {  	[tilespmem:s16+$0xFFFFFF90] =	vst v0  }
0xdd: {  	v0 =	vld [tilespmem:s3+$0x19F10];
	_ =	sdelay $0x7  }
0xde: {  	v0 =	vld.idx.msk [tilespmem:v0+s2+$0x0], $0xffff;
	_ =	sdelay $0x4  }
0xdf: {  	[tilespmem:s16+$0xFFFFFFA0] =	vst v0  }
0xe0: {  	v0 =	vld [tilespmem:s3+$0x19F20];
	_ =	sdelay $0x7  }
0xe1: {  	v0 =	vld.idx.msk [tilespmem:v0+s2+$0x0], $0xffff;
	_ =	sdelay $0x4  }
0xe2: {  	[tilespmem:s16+$0xFFFFFFB0] =	vst v0  }
0xe3: {  	v0 =	vld [tilespmem:s3+$0x19F30];
	_ =	sdelay $0x7  }
0xe4: {  	v0 =	vld.idx.msk [tilespmem:v0+s2+$0x0], $0xffff;
	_ =	sdelay $0x4  }
0xe5: {  	[tilespmem:s16+$0xFFFFFFC0] =	vst v0  }
0xe6: {  	v0 =	vld [tilespmem:s3+$0x19F40];
	_ =	sdelay $0x7  }
0xe7: {  	v0 =	vld.idx.msk [tilespmem:v0+s2+$0x0], $0xffff;
	_ =	sdelay $0x4  }
0xe8: {  	[tilespmem:s16+$0xFFFFFFD0] =	vst v0  }
0xe9: {  	v0 =	vld [tilespmem:s3+$0x19F50];
	_ =	sdelay $0x7  }
0xea: {  	v0 =	vld.idx.msk [tilespmem:v0+s2+$0x0], $0xffff;
	_ =	sdelay $0x4  }
0xeb: {  	[tilespmem:s16+$0xFFFFFFE0] =	vst v0  }
0xec: {  	v0 =	vld [tilespmem:s3+$0x19F60];
	_ =	sdelay $0x7  }
0xed: {  	v0 =	vld.idx.msk [tilespmem:v0+s2+$0x0], $0xffff;
	_ =	sdelay $0x4  }
0xee: {  	[tilespmem:s16+$0xFFFFFFF0] =	vst v0  }
0xef: {  	v0 =	vld [tilespmem:s3+$0x19F70];
	_ =	sdelay $0x7  }
0xf0: {  	p0 =	sne.s32 s15, $0x1E00;
	v0 =	vld.idx.msk [tilespmem:v0+s2+$0x0], $0xffff  }
.Ltmp3:
0xf1: {  	_ = 	snop;
	(pc) =	sbr.rel @p0 .LBB2_8-.Ltmp3, $2  }
0xf2: {  	_ =	sdelay $0x2  }
0xf3: {  	s15 =	sadd.s32 $0x200, s15;
	[tilespmem:s16+$0x0] =	vst v0;
	s16 =	sadd.s32 $0x100, s16  }
0xf4: {  	s15 =	simm.s32 $0x0  }
0xf5: {  	[hbm4b:s8+s15] =	stream.linear.scatter [tilespmem:s5], [sflag:$0x2], $0x80, $0x38;
	[tilespmem:$0x1D700] =	vst v63  }
0xf6: {  	s3 =	sadd.s32 $0x80, s8  }
0xf7: {  	[hbm4b:s3+s15] =	stream.linear.scatter [tilespmem:s13], [sflag:$0x2], $0x80, $0x38;
	[tilespmem:$0x1D700] =	vst v63  }
0xf8: {  	s16 =	sadd.s32 $0x100, s8  }
0xf9: {  	[hbm4b:s16+s15] =	stream.linear.scatter [tilespmem:s19], [sflag:$0x2], $0x80, $0x38;
	[tilespmem:$0x1D700] =	vst v63  }
0xfa: {  	s16 =	sadd.s32 $0x180, s8  }
0xfb: {  	[hbm4b:s16+s15] =	stream.linear.scatter [tilespmem:s21], [sflag:$0x2], $0x80, $0x38;
	[tilespmem:$0x1D700] =	vst v63  }
0xfc: {  	s16 =	sadd.s32 $0x200, s8  }
0xfd: {  	[hbm4b:s16+s15] =	stream.linear.scatter [tilespmem:s23], [sflag:$0x2], $0x80, $0x38;
	[tilespmem:$0x1D700] =	vst v63  }
0xfe: {  	s16 =	sadd.s32 $0x280, s8  }
0xff: {  	[hbm4b:s16+s15] =	stream.linear.scatter [tilespmem:s18], [sflag:$0x2], $0x80, $0x38;
	[tilespmem:$0x1D700] =	vst v63  }
0x100: {  	s16 =	sadd.s32 $0x300, s8  }
0x101: {  	[hbm4b:s16+s15] =	stream.linear.scatter [tilespmem:s20], [sflag:$0x2], $0x80, $0x38;
	[tilespmem:$0x1D700] =	vst v63  }
0x102: {  	s16 =	sadd.s32 $0x380, s8  }
0x103: {  	[hbm4b:s16+s15] =	stream.linear.scatter [tilespmem:s22], [sflag:$0x2], $0x80, $0x38;
	[tilespmem:$0x1D700] =	vst v63  }
0x104: {  	s16 =	sadd.s32 $0x400, s8  }
0x105: {  	[hbm4b:s16+s15] =	stream.linear.scatter [tilespmem:s24], [sflag:$0x2], $0x80, $0x38;
	[tilespmem:$0x1D700] =	vst v63  }
0x106: {  	s16 =	sadd.s32 $0x480, s8  }
0x107: {  	[hbm4b:s16+s15] =	stream.linear.scatter [tilespmem:s25], [sflag:$0x2], $0x80, $0x38;
	[tilespmem:$0x1D700] =	vst v63  }
0x108: {  	s16 =	sadd.s32 $0x500, s8  }
0x109: {  	[hbm4b:s16+s15] =	stream.linear.scatter [tilespmem:s26], [sflag:$0x2], $0x80, $0x38;
	[tilespmem:$0x1D700] =	vst v63  }
0x10a: {  	s16 =	sadd.s32 $0x580, s8  }
0x10b: {  	[hbm4b:s16+s15] =	stream.linear.scatter [tilespmem:s28], [sflag:$0x2], $0x80, $0x38;
	[tilespmem:$0x1D700] =	vst v63  }
0x10c: {  	s16 =	sadd.s32 $0x600, s8  }
0x10d: {  	[hbm4b:s16+s15] =	stream.linear.scatter [tilespmem:s29], [sflag:$0x2], $0x80, $0x38;
	[tilespmem:$0x1D700] =	vst v63  }
0x10e: {  	s16 =	sadd.s32 $0x680, s8  }
0x10f: {  	[hbm4b:s16+s15] =	stream.linear.scatter [tilespmem:s30], [sflag:$0x2], $0x80, $0x38;
	[tilespmem:$0x1D700] =	vst v63  }
0x110: {  	s16 =	sadd.s32 $0x700, s8  }
0x111: {  	[hbm4b:s16+s15] =	stream.linear.scatter [tilespmem:s31], [sflag:$0x2], $0x80, $0x38;
	[tilespmem:$0x1D700] =	vst v63  }
0x112: {  	s16 =	sadd.s32 $0x780, s8  }
0x113: {  	[hbm4b:s16+s15] =	stream.linear.scatter [tilespmem:s0], [sflag:$0x2], $0x80, $0x38;
	[tilespmem:$0x1D700] =	vst v63  }
0x114: {  	_ =	swait.ge [sflag:s1], $0x800  }
0x115: {  	[sflag:s1] =	ssyncset.done $0x0  }
0x116: {  	s16 =	simm.s32 $0x1A770;
	[sflag:s1] =	ssyncadd.s32 $0xFFFFF800  }
.LBB2_10:
0x117: {  	v0 =	vld [tilespmem:s16+$0xFFFFFF90];
	_ =	sdelay $0x7  }
0x118: {  	v0 =	vld.idx.msk [tilespmem:v0+s2+$0x0], $0xffff;
	_ =	sdelay $0x3  }
0x119: {  	s3 =	sshra.s32 s15, $0x2  }
0x11a: {  	[tilespmem:s3+$0x1C700] =	vst v0  }
0x11b: {  	v0 =	vld [tilespmem:s16+$0xFFFFFFA0];
	_ =	sdelay $0x7  }
0x11c: {  	v0 =	vld.idx.msk [tilespmem:v0+s2+$0x0], $0xffff;
	_ =	sdelay $0x4  }
0x11d: {  	[tilespmem:s3+$0x1C710] =	vst v0  }
0x11e: {  	v0 =	vld [tilespmem:s16+$0xFFFFFFB0];
	_ =	sdelay $0x7  }
0x11f: {  	v0 =	vld.idx.msk [tilespmem:v0+s2+$0x0], $0xffff;
	_ =	sdelay $0x4  }
0x120: {  	[tilespmem:s3+$0x1C720] =	vst v0  }
0x121: {  	v0 =	vld [tilespmem:s16+$0xFFFFFFC0];
	_ =	sdelay $0x7  }
0x122: {  	v0 =	vld.idx.msk [tilespmem:v0+s2+$0x0], $0xffff;
	_ =	sdelay $0x4  }
0x123: {  	[tilespmem:s3+$0x1C730] =	vst v0  }
0x124: {  	v0 =	vld [tilespmem:s16+$0xFFFFFFD0];
	_ =	sdelay $0x7  }
0x125: {  	v0 =	vld.idx.msk [tilespmem:v0+s2+$0x0], $0xffff;
	_ =	sdelay $0x4  }
0x126: {  	[tilespmem:s3+$0x1C740] =	vst v0  }
0x127: {  	v0 =	vld [tilespmem:s16+$0xFFFFFFE0];
	_ =	sdelay $0x7  }
0x128: {  	v0 =	vld.idx.msk [tilespmem:v0+s2+$0x0], $0xffff;
	_ =	sdelay $0x4  }
0x129: {  	[tilespmem:s3+$0x1C750] =	vst v0  }
0x12a: {  	v0 =	vld [tilespmem:s16+$0xFFFFFFF0];
	_ =	sdelay $0x7  }
0x12b: {  	v0 =	vld.idx.msk [tilespmem:v0+s2+$0x0], $0xffff;
	_ =	sdelay $0x4  }
0x12c: {  	[tilespmem:s3+$0x1C760] =	vst v0  }
0x12d: {  	v0 =	vld [tilespmem:s16+$0x0];
	_ =	sdelay $0x7  }
0x12e: {  	p0 =	sne.s32 s15, $0x3C00;
	v0 =	vld.idx.msk [tilespmem:v0+s2+$0x0], $0xffff  }
.Ltmp4:
0x12f: {  	_ = 	snop;
	(pc) =	sbr.rel @p0 .LBB2_10-.Ltmp4, $2  }
0x130: {  	_ =	sdelay $0x2  }
0x131: {  	s15 =	sadd.s32 $0x400, s15;
	s16 =	sadd.s32 $0x80, s16;
	[tilespmem:s3+$0x1C770] =	vst v0  }
0x132: {  	s15 =	simm.s32 $0x0;
	s3 =	simm.s32 $0x1C700  }
0x133: {  	[hbm4b:s9+s15] =	stream.linear.scatter [tilespmem:s3], [sflag:$0x2], $0x80, $0x38;
	[tilespmem:$0x1D700] =	vst v63  }
0x134: {  	s16 =	simm.s32 $0x1C800;
	s3 =	sadd.s32 $0x80, s9  }
0x135: {  	[hbm4b:s3+s15] =	stream.linear.scatter [tilespmem:s16], [sflag:$0x2], $0x80, $0x38;
	[tilespmem:$0x1D700] =	vst v63  }
0x136: {  	s3 =	sadd.s32 $0x100, s9;
	s16 =	simm.s32 $0x1C900  }
0x137: {  	[hbm4b:s3+s15] =	stream.linear.scatter [tilespmem:s16], [sflag:$0x2], $0x80, $0x38;
	[tilespmem:$0x1D700] =	vst v63  }
0x138: {  	s3 =	sadd.s32 $0x180, s9;
	s16 =	simm.s32 $0x1CA00  }
0x139: {  	[hbm4b:s3+s15] =	stream.linear.scatter [tilespmem:s16], [sflag:$0x2], $0x80, $0x38;
	[tilespmem:$0x1D700] =	vst v63  }
0x13a: {  	s3 =	sadd.s32 $0x200, s9;
	s16 =	simm.s32 $0x1CB00  }
0x13b: {  	[hbm4b:s3+s15] =	stream.linear.scatter [tilespmem:s16], [sflag:$0x2], $0x80, $0x38;
	[tilespmem:$0x1D700] =	vst v63  }
0x13c: {  	s3 =	sadd.s32 $0x280, s9;
	s16 =	simm.s32 $0x1CC00  }
0x13d: {  	[hbm4b:s3+s15] =	stream.linear.scatter [tilespmem:s16], [sflag:$0x2], $0x80, $0x38;
	[tilespmem:$0x1D700] =	vst v63  }
0x13e: {  	s3 =	sadd.s32 $0x300, s9;
	s16 =	simm.s32 $0x1CD00  }
0x13f: {  	[hbm4b:s3+s15] =	stream.linear.scatter [tilespmem:s16], [sflag:$0x2], $0x80, $0x38;
	[tilespmem:$0x1D700] =	vst v63  }
0x140: {  	s3 =	sadd.s32 $0x380, s9;
	s16 =	simm.s32 $0x1CE00  }
0x141: {  	[hbm4b:s3+s15] =	stream.linear.scatter [tilespmem:s16], [sflag:$0x2], $0x80, $0x38;
	[tilespmem:$0x1D700] =	vst v63  }
0x142: {  	s3 =	sadd.s32 $0x400, s9;
	s16 =	simm.s32 $0x1CF00  }
0x143: {  	[hbm4b:s3+s15] =	stream.linear.scatter [tilespmem:s16], [sflag:$0x2], $0x80, $0x38;
	[tilespmem:$0x1D700] =	vst v63  }
0x144: {  	s3 =	sadd.s32 $0x480, s9;
	s16 =	simm.s32 $0x1D000  }
0x145: {  	[hbm4b:s3+s15] =	stream.linear.scatter [tilespmem:s16], [sflag:$0x2], $0x80, $0x38;
	[tilespmem:$0x1D700] =	vst v63  }
0x146: {  	s3 =	sadd.s32 $0x500, s9;
	s16 =	simm.s32 $0x1D100  }
0x147: {  	[hbm4b:s3+s15] =	stream.linear.scatter [tilespmem:s16], [sflag:$0x2], $0x80, $0x38;
	[tilespmem:$0x1D700] =	vst v63  }
0x148: {  	s3 =	sadd.s32 $0x580, s9;
	s16 =	simm.s32 $0x1D200  }
0x149: {  	[hbm4b:s3+s15] =	stream.linear.scatter [tilespmem:s16], [sflag:$0x2], $0x80, $0x38;
	[tilespmem:$0x1D700] =	vst v63  }
0x14a: {  	s3 =	sadd.s32 $0x600, s9;
	s16 =	simm.s32 $0x1D300  }
0x14b: {  	[hbm4b:s3+s15] =	stream.linear.scatter [tilespmem:s16], [sflag:$0x2], $0x80, $0x38;
	[tilespmem:$0x1D700] =	vst v63  }
0x14c: {  	s3 =	sadd.s32 $0x680, s9;
	s16 =	simm.s32 $0x1D400  }
0x14d: {  	[hbm4b:s3+s15] =	stream.linear.scatter [tilespmem:s16], [sflag:$0x2], $0x80, $0x38;
	[tilespmem:$0x1D700] =	vst v63  }
0x14e: {  	s3 =	sadd.s32 $0x700, s9;
	s16 =	simm.s32 $0x1D500  }
0x14f: {  	[hbm4b:s3+s15] =	stream.linear.scatter [tilespmem:s16], [sflag:$0x2], $0x80, $0x38;
	[tilespmem:$0x1D700] =	vst v63  }
0x150: {  	s3 =	sadd.s32 $0x780, s9;
	s16 =	simm.s32 $0x1D600  }
0x151: {  	[hbm4b:s3+s15] =	stream.linear.scatter [tilespmem:s16], [sflag:$0x2], $0x80, $0x38;
	[tilespmem:$0x1D700] =	vst v63  }
0x152: {  	_ =	swait.ge [sflag:s1], $0x800  }
0x153: {  	[sflag:s1] =	ssyncset.done $0x0  }
0x154: {  	s16 =	simm.s32 $0x1C7F0;
	[sflag:s1] =	ssyncadd.s32 $0xFFFFF800  }
.LBB2_12:
0x155: {  	s3 =	sshra.s32 s15, $0x2  }
0x156: {  	v0 =	vld [tilespmem:s3+$0x1AF00];
	_ =	sdelay $0x7  }
0x157: {  	v0 =	vld.idx.msk [tilespmem:v0+s2+$0x0], $0xffff;
	_ =	sdelay $0x4  }
0x158: {  	[tilespmem:s16+$0xFFFFFF90] =	vst v0  }
0x159: {  	v0 =	vld [tilespmem:s3+$0x1AF10];
	_ =	sdelay $0x7  }
0x15a: {  	v0 =	vld.idx.msk [tilespmem:v0+s2+$0x0], $0xffff;
	_ =	sdelay $0x4  }
0x15b: {  	[tilespmem:s16+$0xFFFFFFA0] =	vst v0  }
0x15c: {  	v0 =	vld [tilespmem:s3+$0x1AF20];
	_ =	sdelay $0x7  }
0x15d: {  	v0 =	vld.idx.msk [tilespmem:v0+s2+$0x0], $0xffff;
	_ =	sdelay $0x4  }
0x15e: {  	[tilespmem:s16+$0xFFFFFFB0] =	vst v0  }
0x15f: {  	v0 =	vld [tilespmem:s3+$0x1AF30];
	_ =	sdelay $0x7  }
0x160: {  	v0 =	vld.idx.msk [tilespmem:v0+s2+$0x0], $0xffff;
	_ =	sdelay $0x4  }
0x161: {  	[tilespmem:s16+$0xFFFFFFC0] =	vst v0  }
0x162: {  	v0 =	vld [tilespmem:s3+$0x1AF40];
	_ =	sdelay $0x7  }
0x163: {  	v0 =	vld.idx.msk [tilespmem:v0+s2+$0x0], $0xffff;
	_ =	sdelay $0x4  }
0x164: {  	[tilespmem:s16+$0xFFFFFFD0] =	vst v0  }
0x165: {  	v0 =	vld [tilespmem:s3+$0x1AF50];
	_ =	sdelay $0x7  }
0x166: {  	v0 =	vld.idx.msk [tilespmem:v0+s2+$0x0], $0xffff;
	_ =	sdelay $0x4  }
0x167: {  	[tilespmem:s16+$0xFFFFFFE0] =	vst v0  }
0x168: {  	v0 =	vld [tilespmem:s3+$0x1AF60];
	_ =	sdelay $0x7  }
0x169: {  	v0 =	vld.idx.msk [tilespmem:v0+s2+$0x0], $0xffff;
	_ =	sdelay $0x4  }
0x16a: {  	[tilespmem:s16+$0xFFFFFFF0] =	vst v0  }
0x16b: {  	v0 =	vld [tilespmem:s3+$0x1AF70];
	_ =	sdelay $0x7  }
0x16c: {  	p0 =	sne.s32 s15, $0x1E00;
	v0 =	vld.idx.msk [tilespmem:v0+s2+$0x0], $0xffff  }
.Ltmp5:
0x16d: {  	_ = 	snop;
	(pc) =	sbr.rel @p0 .LBB2_12-.Ltmp5, $2  }
0x16e: {  	_ =	sdelay $0x2  }
0x16f: {  	s15 =	sadd.s32 $0x200, s15;
	[tilespmem:s16+$0x0] =	vst v0;
	s16 =	sadd.s32 $0x100, s16  }
0x170: {  	s15 =	simm.s32 $0x0  }
0x171: {  	[hbm4b:s10+s15] =	stream.linear.scatter [tilespmem:s5], [sflag:$0x2], $0x80, $0x38;
	[tilespmem:$0x1D700] =	vst v63  }
0x172: {  	s3 =	sadd.s32 $0x80, s10  }
0x173: {  	[hbm4b:s3+s15] =	stream.linear.scatter [tilespmem:s13], [sflag:$0x2], $0x80, $0x38;
	[tilespmem:$0x1D700] =	vst v63  }
0x174: {  	s16 =	sadd.s32 $0x100, s10  }
0x175: {  	[hbm4b:s16+s15] =	stream.linear.scatter [tilespmem:s19], [sflag:$0x2], $0x80, $0x38;
	[tilespmem:$0x1D700] =	vst v63  }
0x176: {  	s16 =	sadd.s32 $0x180, s10  }
0x177: {  	[hbm4b:s16+s15] =	stream.linear.scatter [tilespmem:s21], [sflag:$0x2], $0x80, $0x38;
	[tilespmem:$0x1D700] =	vst v63  }
0x178: {  	s16 =	sadd.s32 $0x200, s10  }
0x179: {  	[hbm4b:s16+s15] =	stream.linear.scatter [tilespmem:s23], [sflag:$0x2], $0x80, $0x38;
	[tilespmem:$0x1D700] =	vst v63  }
0x17a: {  	s16 =	sadd.s32 $0x280, s10  }
0x17b: {  	[hbm4b:s16+s15] =	stream.linear.scatter [tilespmem:s18], [sflag:$0x2], $0x80, $0x38;
	[tilespmem:$0x1D700] =	vst v63  }
0x17c: {  	s16 =	sadd.s32 $0x300, s10  }
0x17d: {  	[hbm4b:s16+s15] =	stream.linear.scatter [tilespmem:s20], [sflag:$0x2], $0x80, $0x38;
	[tilespmem:$0x1D700] =	vst v63  }
0x17e: {  	s16 =	sadd.s32 $0x380, s10  }
0x17f: {  	[hbm4b:s16+s15] =	stream.linear.scatter [tilespmem:s22], [sflag:$0x2], $0x80, $0x38;
	[tilespmem:$0x1D700] =	vst v63  }
0x180: {  	s16 =	sadd.s32 $0x400, s10  }
0x181: {  	[hbm4b:s16+s15] =	stream.linear.scatter [tilespmem:s24], [sflag:$0x2], $0x80, $0x38;
	[tilespmem:$0x1D700] =	vst v63  }
0x182: {  	s16 =	sadd.s32 $0x480, s10  }
0x183: {  	[hbm4b:s16+s15] =	stream.linear.scatter [tilespmem:s25], [sflag:$0x2], $0x80, $0x38;
	[tilespmem:$0x1D700] =	vst v63  }
0x184: {  	s16 =	sadd.s32 $0x500, s10  }
0x185: {  	[hbm4b:s16+s15] =	stream.linear.scatter [tilespmem:s26], [sflag:$0x2], $0x80, $0x38;
	[tilespmem:$0x1D700] =	vst v63  }
0x186: {  	s16 =	sadd.s32 $0x580, s10  }
0x187: {  	[hbm4b:s16+s15] =	stream.linear.scatter [tilespmem:s28], [sflag:$0x2], $0x80, $0x38;
	[tilespmem:$0x1D700] =	vst v63  }
0x188: {  	s16 =	sadd.s32 $0x600, s10  }
0x189: {  	[hbm4b:s16+s15] =	stream.linear.scatter [tilespmem:s29], [sflag:$0x2], $0x80, $0x38;
	[tilespmem:$0x1D700] =	vst v63  }
0x18a: {  	s16 =	sadd.s32 $0x680, s10  }
0x18b: {  	[hbm4b:s16+s15] =	stream.linear.scatter [tilespmem:s30], [sflag:$0x2], $0x80, $0x38;
	[tilespmem:$0x1D700] =	vst v63  }
0x18c: {  	s16 =	sadd.s32 $0x700, s10  }
0x18d: {  	[hbm4b:s16+s15] =	stream.linear.scatter [tilespmem:s31], [sflag:$0x2], $0x80, $0x38;
	[tilespmem:$0x1D700] =	vst v63  }
0x18e: {  	s16 =	sadd.s32 $0x780, s10  }
0x18f: {  	[hbm4b:s16+s15] =	stream.linear.scatter [tilespmem:s0], [sflag:$0x2], $0x80, $0x38;
	[tilespmem:$0x1D700] =	vst v63  }
0x190: {  	_ =	swait.ge [sflag:s1], $0x800  }
0x191: {  	[sflag:s1] =	ssyncset.done $0x0  }
0x192: {  	s16 =	simm.s32 $0x1B770;
	[sflag:s1] =	ssyncadd.s32 $0xFFFFF800  }
.LBB2_14:
0x193: {  	v0 =	vld [tilespmem:s16+$0xFFFFFF90];
	_ =	sdelay $0x7  }
0x194: {  	v0 =	vld.idx.msk [tilespmem:v0+s2+$0x0], $0xffff;
	_ =	sdelay $0x3  }
0x195: {  	s3 =	sshra.s32 s15, $0x2  }
0x196: {  	[tilespmem:s3+$0x1C700] =	vst v0  }
0x197: {  	v0 =	vld [tilespmem:s16+$0xFFFFFFA0];
	_ =	sdelay $0x7  }
0x198: {  	v0 =	vld.idx.msk [tilespmem:v0+s2+$0x0], $0xffff;
	_ =	sdelay $0x4  }
0x199: {  	[tilespmem:s3+$0x1C710] =	vst v0  }
0x19a: {  	v0 =	vld [tilespmem:s16+$0xFFFFFFB0];
	_ =	sdelay $0x7  }
0x19b: {  	v0 =	vld.idx.msk [tilespmem:v0+s2+$0x0], $0xffff;
	_ =	sdelay $0x4  }
0x19c: {  	[tilespmem:s3+$0x1C720] =	vst v0  }
0x19d: {  	v0 =	vld [tilespmem:s16+$0xFFFFFFC0];
	_ =	sdelay $0x7  }
0x19e: {  	v0 =	vld.idx.msk [tilespmem:v0+s2+$0x0], $0xffff;
	_ =	sdelay $0x4  }
0x19f: {  	[tilespmem:s3+$0x1C730] =	vst v0  }
0x1a0: {  	v0 =	vld [tilespmem:s16+$0xFFFFFFD0];
	_ =	sdelay $0x7  }
0x1a1: {  	v0 =	vld.idx.msk [tilespmem:v0+s2+$0x0], $0xffff;
	_ =	sdelay $0x4  }
0x1a2: {  	[tilespmem:s3+$0x1C740] =	vst v0  }
0x1a3: {  	v0 =	vld [tilespmem:s16+$0xFFFFFFE0];
	_ =	sdelay $0x7  }
0x1a4: {  	v0 =	vld.idx.msk [tilespmem:v0+s2+$0x0], $0xffff;
	_ =	sdelay $0x4  }
0x1a5: {  	[tilespmem:s3+$0x1C750] =	vst v0  }
0x1a6: {  	v0 =	vld [tilespmem:s16+$0xFFFFFFF0];
	_ =	sdelay $0x7  }
0x1a7: {  	v0 =	vld.idx.msk [tilespmem:v0+s2+$0x0], $0xffff;
	_ =	sdelay $0x4  }
0x1a8: {  	[tilespmem:s3+$0x1C760] =	vst v0  }
0x1a9: {  	v0 =	vld [tilespmem:s16+$0x0];
	_ =	sdelay $0x7  }
0x1aa: {  	p0 =	sne.s32 s15, $0x3C00;
	v0 =	vld.idx.msk [tilespmem:v0+s2+$0x0], $0xffff  }
.Ltmp6:
0x1ab: {  	_ = 	snop;
	(pc) =	sbr.rel @p0 .LBB2_14-.Ltmp6, $2  }
0x1ac: {  	_ =	sdelay $0x2  }
0x1ad: {  	s15 =	sadd.s32 $0x400, s15;
	s16 =	sadd.s32 $0x80, s16;
	[tilespmem:s3+$0x1C770] =	vst v0  }
0x1ae: {  	s15 =	simm.s32 $0x0;
	s3 =	simm.s32 $0x1C700  }
0x1af: {  	[hbm4b:s11+s15] =	stream.linear.scatter [tilespmem:s3], [sflag:$0x2], $0x80, $0x38;
	[tilespmem:$0x1D700] =	vst v63  }
0x1b0: {  	s16 =	simm.s32 $0x1C800;
	s3 =	sadd.s32 $0x80, s11  }
0x1b1: {  	[hbm4b:s3+s15] =	stream.linear.scatter [tilespmem:s16], [sflag:$0x2], $0x80, $0x38;
	[tilespmem:$0x1D700] =	vst v63  }
0x1b2: {  	s3 =	sadd.s32 $0x100, s11;
	s16 =	simm.s32 $0x1C900  }
0x1b3: {  	[hbm4b:s3+s15] =	stream.linear.scatter [tilespmem:s16], [sflag:$0x2], $0x80, $0x38;
	[tilespmem:$0x1D700] =	vst v63  }
0x1b4: {  	s3 =	sadd.s32 $0x180, s11;
	s16 =	simm.s32 $0x1CA00  }
0x1b5: {  	[hbm4b:s3+s15] =	stream.linear.scatter [tilespmem:s16], [sflag:$0x2], $0x80, $0x38;
	[tilespmem:$0x1D700] =	vst v63  }
0x1b6: {  	s3 =	sadd.s32 $0x200, s11;
	s16 =	simm.s32 $0x1CB00  }
0x1b7: {  	[hbm4b:s3+s15] =	stream.linear.scatter [tilespmem:s16], [sflag:$0x2], $0x80, $0x38;
	[tilespmem:$0x1D700] =	vst v63  }
0x1b8: {  	s3 =	sadd.s32 $0x280, s11;
	s16 =	simm.s32 $0x1CC00  }
0x1b9: {  	[hbm4b:s3+s15] =	stream.linear.scatter [tilespmem:s16], [sflag:$0x2], $0x80, $0x38;
	[tilespmem:$0x1D700] =	vst v63  }
0x1ba: {  	s3 =	sadd.s32 $0x300, s11;
	s16 =	simm.s32 $0x1CD00  }
0x1bb: {  	[hbm4b:s3+s15] =	stream.linear.scatter [tilespmem:s16], [sflag:$0x2], $0x80, $0x38;
	[tilespmem:$0x1D700] =	vst v63  }
0x1bc: {  	s3 =	sadd.s32 $0x380, s11;
	s16 =	simm.s32 $0x1CE00  }
0x1bd: {  	[hbm4b:s3+s15] =	stream.linear.scatter [tilespmem:s16], [sflag:$0x2], $0x80, $0x38;
	[tilespmem:$0x1D700] =	vst v63  }
0x1be: {  	s3 =	sadd.s32 $0x400, s11;
	s16 =	simm.s32 $0x1CF00  }
0x1bf: {  	[hbm4b:s3+s15] =	stream.linear.scatter [tilespmem:s16], [sflag:$0x2], $0x80, $0x38;
	[tilespmem:$0x1D700] =	vst v63  }
0x1c0: {  	s3 =	sadd.s32 $0x480, s11;
	s16 =	simm.s32 $0x1D000  }
0x1c1: {  	[hbm4b:s3+s15] =	stream.linear.scatter [tilespmem:s16], [sflag:$0x2], $0x80, $0x38;
	[tilespmem:$0x1D700] =	vst v63  }
0x1c2: {  	s3 =	sadd.s32 $0x500, s11;
	s16 =	simm.s32 $0x1D100  }
0x1c3: {  	[hbm4b:s3+s15] =	stream.linear.scatter [tilespmem:s16], [sflag:$0x2], $0x80, $0x38;
	[tilespmem:$0x1D700] =	vst v63  }
0x1c4: {  	s3 =	sadd.s32 $0x580, s11;
	s16 =	simm.s32 $0x1D200  }
0x1c5: {  	[hbm4b:s3+s15] =	stream.linear.scatter [tilespmem:s16], [sflag:$0x2], $0x80, $0x38;
	[tilespmem:$0x1D700] =	vst v63  }
0x1c6: {  	s3 =	sadd.s32 $0x600, s11;
	s16 =	simm.s32 $0x1D300  }
0x1c7: {  	[hbm4b:s3+s15] =	stream.linear.scatter [tilespmem:s16], [sflag:$0x2], $0x80, $0x38;
	[tilespmem:$0x1D700] =	vst v63  }
0x1c8: {  	s3 =	sadd.s32 $0x680, s11;
	s16 =	simm.s32 $0x1D400  }
0x1c9: {  	[hbm4b:s3+s15] =	stream.linear.scatter [tilespmem:s16], [sflag:$0x2], $0x80, $0x38;
	[tilespmem:$0x1D700] =	vst v63  }
0x1ca: {  	s3 =	sadd.s32 $0x700, s11;
	s16 =	simm.s32 $0x1D500  }
0x1cb: {  	[hbm4b:s3+s15] =	stream.linear.scatter [tilespmem:s16], [sflag:$0x2], $0x80, $0x38;
	[tilespmem:$0x1D700] =	vst v63  }
0x1cc: {  	s3 =	sadd.s32 $0x780, s11;
	s16 =	simm.s32 $0x1D600  }
0x1cd: {  	[hbm4b:s3+s15] =	stream.linear.scatter [tilespmem:s16], [sflag:$0x2], $0x80, $0x38;
	[tilespmem:$0x1D700] =	vst v63  }
0x1ce: {  	_ =	swait.ge [sflag:s1], $0x800  }
0x1cf: {  	[sflag:s1] =	ssyncset.done $0x0  }
0x1d0: {  	s16 =	simm.s32 $0x1C7F0;
	[sflag:s1] =	ssyncadd.s32 $0xFFFFF800  }
.LBB2_16:
0x1d1: {  	s3 =	sshra.s32 s15, $0x2  }
0x1d2: {  	v0 =	vld [tilespmem:s3+$0x1BF00];
	_ =	sdelay $0x7  }
0x1d3: {  	v0 =	vld.idx.msk [tilespmem:v0+s2+$0x0], $0xffff;
	_ =	sdelay $0x4  }
0x1d4: {  	[tilespmem:s16+$0xFFFFFF90] =	vst v0  }
0x1d5: {  	v0 =	vld [tilespmem:s3+$0x1BF10];
	_ =	sdelay $0x7  }
0x1d6: {  	v0 =	vld.idx.msk [tilespmem:v0+s2+$0x0], $0xffff;
	_ =	sdelay $0x4  }
0x1d7: {  	[tilespmem:s16+$0xFFFFFFA0] =	vst v0  }
0x1d8: {  	v0 =	vld [tilespmem:s3+$0x1BF20];
	_ =	sdelay $0x7  }
0x1d9: {  	v0 =	vld.idx.msk [tilespmem:v0+s2+$0x0], $0xffff;
	_ =	sdelay $0x4  }
0x1da: {  	[tilespmem:s16+$0xFFFFFFB0] =	vst v0  }
0x1db: {  	v0 =	vld [tilespmem:s3+$0x1BF30];
	_ =	sdelay $0x7  }
0x1dc: {  	v0 =	vld.idx.msk [tilespmem:v0+s2+$0x0], $0xffff;
	_ =	sdelay $0x4  }
0x1dd: {  	[tilespmem:s16+$0xFFFFFFC0] =	vst v0  }
0x1de: {  	v0 =	vld [tilespmem:s3+$0x1BF40];
	_ =	sdelay $0x7  }
0x1df: {  	v0 =	vld.idx.msk [tilespmem:v0+s2+$0x0], $0xffff;
	_ =	sdelay $0x4  }
0x1e0: {  	[tilespmem:s16+$0xFFFFFFD0] =	vst v0  }
0x1e1: {  	v0 =	vld [tilespmem:s3+$0x1BF50];
	_ =	sdelay $0x7  }
0x1e2: {  	v0 =	vld.idx.msk [tilespmem:v0+s2+$0x0], $0xffff;
	_ =	sdelay $0x4  }
0x1e3: {  	[tilespmem:s16+$0xFFFFFFE0] =	vst v0  }
0x1e4: {  	v0 =	vld [tilespmem:s3+$0x1BF60];
	_ =	sdelay $0x7  }
0x1e5: {  	v0 =	vld.idx.msk [tilespmem:v0+s2+$0x0], $0xffff;
	_ =	sdelay $0x4  }
0x1e6: {  	[tilespmem:s16+$0xFFFFFFF0] =	vst v0  }
0x1e7: {  	v0 =	vld [tilespmem:s3+$0x1BF70];
	_ =	sdelay $0x7  }
0x1e8: {  	p0 =	sne.s32 s15, $0x1E00;
	v0 =	vld.idx.msk [tilespmem:v0+s2+$0x0], $0xffff  }
.Ltmp7:
0x1e9: {  	_ = 	snop;
	(pc) =	sbr.rel @p0 .LBB2_16-.Ltmp7, $2  }
0x1ea: {  	_ =	sdelay $0x2  }
0x1eb: {  	s15 =	sadd.s32 $0x200, s15;
	[tilespmem:s16+$0x0] =	vst v0;
	s16 =	sadd.s32 $0x100, s16  }
0x1ec: {  	[hbm4b:s12+s2] =	stream.linear.scatter [tilespmem:s5], [sflag:$0x2], $0x80, $0x38;
	[tilespmem:$0x1D700] =	vst v63  }
0x1ed: {  	s3 =	sadd.s32 $0x80, s12  }
0x1ee: {  	[hbm4b:s3+s2] =	stream.linear.scatter [tilespmem:s13], [sflag:$0x2], $0x80, $0x38;
	[tilespmem:$0x1D700] =	vst v63  }
0x1ef: {  	s16 =	sadd.s32 $0x100, s12  }
0x1f0: {  	[hbm4b:s16+s2] =	stream.linear.scatter [tilespmem:s19], [sflag:$0x2], $0x80, $0x38;
	[tilespmem:$0x1D700] =	vst v63  }
0x1f1: {  	s15 =	sadd.s32 $0x180, s12  }
0x1f2: {  	[hbm4b:s15+s2] =	stream.linear.scatter [tilespmem:s21], [sflag:$0x2], $0x80, $0x38;
	[tilespmem:$0x1D700] =	vst v63  }
0x1f3: {  	s16 =	sadd.s32 $0x200, s12  }
0x1f4: {  	[hbm4b:s16+s2] =	stream.linear.scatter [tilespmem:s23], [sflag:$0x2], $0x80, $0x38;
	[tilespmem:$0x1D700] =	vst v63  }
0x1f5: {  	s15 =	sadd.s32 $0x280, s12  }
0x1f6: {  	[hbm4b:s15+s2] =	stream.linear.scatter [tilespmem:s18], [sflag:$0x2], $0x80, $0x38;
	[tilespmem:$0x1D700] =	vst v63  }
0x1f7: {  	s16 =	sadd.s32 $0x300, s12  }
0x1f8: {  	[hbm4b:s16+s2] =	stream.linear.scatter [tilespmem:s20], [sflag:$0x2], $0x80, $0x38;
	[tilespmem:$0x1D700] =	vst v63  }
0x1f9: {  	s15 =	sadd.s32 $0x380, s12  }
0x1fa: {  	[hbm4b:s15+s2] =	stream.linear.scatter [tilespmem:s22], [sflag:$0x2], $0x80, $0x38;
	[tilespmem:$0x1D700] =	vst v63  }
0x1fb: {  	s16 =	sadd.s32 $0x400, s12  }
0x1fc: {  	[hbm4b:s16+s2] =	stream.linear.scatter [tilespmem:s24], [sflag:$0x2], $0x80, $0x38;
	[tilespmem:$0x1D700] =	vst v63  }
0x1fd: {  	s15 =	sadd.s32 $0x480, s12  }
0x1fe: {  	[hbm4b:s15+s2] =	stream.linear.scatter [tilespmem:s25], [sflag:$0x2], $0x80, $0x38;
	[tilespmem:$0x1D700] =	vst v63  }
0x1ff: {  	s16 =	sadd.s32 $0x500, s12  }
0x200: {  	[hbm4b:s16+s2] =	stream.linear.scatter [tilespmem:s26], [sflag:$0x2], $0x80, $0x38;
	[tilespmem:$0x1D700] =	vst v63  }
0x201: {  	s15 =	sadd.s32 $0x580, s12  }
0x202: {  	[hbm4b:s15+s2] =	stream.linear.scatter [tilespmem:s28], [sflag:$0x2], $0x80, $0x38;
	[tilespmem:$0x1D700] =	vst v63  }
0x203: {  	s16 =	sadd.s32 $0x600, s12  }
0x204: {  	[hbm4b:s16+s2] =	stream.linear.scatter [tilespmem:s29], [sflag:$0x2], $0x80, $0x38;
	[tilespmem:$0x1D700] =	vst v63  }
0x205: {  	s15 =	sadd.s32 $0x680, s12  }
0x206: {  	[hbm4b:s15+s2] =	stream.linear.scatter [tilespmem:s30], [sflag:$0x2], $0x80, $0x38;
	[tilespmem:$0x1D700] =	vst v63  }
0x207: {  	s16 =	sadd.s32 $0x700, s12  }
0x208: {  	[hbm4b:s16+s2] =	stream.linear.scatter [tilespmem:s31], [sflag:$0x2], $0x80, $0x38;
	[tilespmem:$0x1D700] =	vst v63  }
0x209: {  	s15 =	sadd.s32 $0x780, s12  }
0x20a: {  	[hbm4b:s15+s2] =	stream.linear.scatter [tilespmem:s0], [sflag:$0x2], $0x80, $0x38;
	[tilespmem:$0x1D700] =	vst v63  }
0x20b: {  	_ =	swait.ge [sflag:s1], $0x800  }
0x20c: {  	[sflag:s1] =	ssyncset.done $0x0  }
0x20d: {  	[sflag:s1] =	ssyncadd.s32 $0xFFFFF800  }
0x20e: {  	_ =	swait.ge [sflag:s1], $0x800  }
0x20f: {  	s14 =	sadd.s32 $0x1, s14;
	s16 =	rddreg [dreg:$0x6]  }
0x210: {  	p0 =	sne.s32 s14, s16  }
.Ltmp8:
0x211: {  	_ = 	snop;
	(pc) =	sbr.rel @p0 .LBB2_1-.Ltmp8, $3  }
0x212: {  	_ =	sdelay $0x1  }
0x213: {  	[sflag:s1] =	ssyncset.done $0x0  }
0x214: {  	[sflag:s1] =	ssyncadd.s32 $0xFFFFF800  }
0x215: {  	_ =	sfence.sel $0x180000  }
0x216: {  	[bflag:$0x0] =	sbarrier.arrive $0xFFFF  }
0x217: {  	_ =	strace $0x90000047  }
0x218: {  	s0 =	stileid.u32;
	[bflag:$0x2] =	sbarrier.arrive $0xFFFF  }
0x219: {  	p0 =	sne.s32 s0, $0x0;
	s0 =	rddreg [dreg:$0x3]  }
0x21a: {  	s0 =	sadd.s32 @!p0 $0x100000, s0  }
0x21b: {  	[sflag:s0] =	ssyncadd.tile.s32 @!p0 $0x1;
	_ =	shalt  }
.Lfunc_end2:
_tile_overlayer_lowered:
.L_overlay_start_2:
0x21c: {  	(tag) =	ssettag $0x2  }
0x21d: {  	s0 =	rddreg [dreg:$0x0];
	s2 =	stileid.u32  }
0x21e: {  	s1 =	rddreg [dreg:$0x1];
	p0 =	sne.s32 s2, $0x0  }
0x21f: {  	s3 =	rddreg [dreg:$0x2];
	[bflag:$0x3] =	sbarrier.arrive $0xFFFF;
	s2 =	simm.s32 @!p0 $0x1C03  }
0x220: {  	[timem:s3], [sflag:s2] =	dma.local @!p0 [hbm:s0], s1  }
0x221: {  	s0 =	simm.s32 @!p0 $0x3  }
0x222: {  	_ =	swait.ge @!p0 [sflag:s0], s1  }
0x223: {  	s1 =	ssub.s32 @!p0 $0x0, s1;
	[sflag:s0] =	ssyncset.done @!p0 $0x0  }
0x224: {  	[sflag:s0] =	ssyncadd.s32 @!p0 s1  }
0x225: {  	[bflag:$0x3] =	sbarrier.arrive $0xFFFF  }
0x226: {  	_ =	shalt  }

</sc_bundles>
